<compile_context>
chip_gen: v7x
topology: tpu7x:2x2x1
jax: 0.10.2.dev20260603
libtpu: 0.0.44.dev20260713+nightly
codegen_flags: <defaults>
</compile_context>

<pallas_src>
import jax
import jax.numpy as jnp
from jax import lax
from jax.experimental import pallas as pl
from jax.experimental.pallas import tpu as pltpu
from jax.experimental.pallas import tpu_sc as plsc

N = 262144
C3 = 128
CH = 3 * C3
NC = 2
NS = 16
NW = NC * NS
PER_W = N // NW
CHUNK = 128
NBUF = 2
N_CHUNKS = PER_W // CHUNK


def _sc_body(cx_hbm, cy_hbm, cz_hbm, ex_hbm, ey_hbm, ez_hbm, out_hbm,
             ix_v, iy_v, iz_v, rows_v, *sems):
    cid = lax.axis_index("c")
    sid = lax.axis_index("s")
    base0 = (sid * NC + cid) * PER_W
    gsem = sems[:NBUF]
    wsem = sems[NBUF:]
    tables = (ex_hbm, ey_hbm, ez_hbm)
    coords = (cx_hbm, cy_hbm, cz_hbm)
    idx_v = (ix_v, iy_v, iz_v)

    for d in range(3):
        pltpu.sync_copy(coords[d].at[pl.ds(base0, PER_W)], idx_v[d])

    def fire_gathers(i, b):
        for d in range(3):
            pltpu.async_copy(tables[d].at[idx_v[d].at[pl.ds(i * CHUNK, CHUNK)]],
                             rows_v.at[b, :, pl.ds(d * C3, C3)], gsem[b])

    def wait_gathers(b):
        for d in range(3):
            pltpu.make_async_copy(tables[d].at[idx_v[d].at[pl.ds(0, CHUNK)]],
                                  rows_v.at[b, :, pl.ds(d * C3, C3)],
                                  gsem[b]).wait()

    def fire_write(i, b):
        base = base0 + i * CHUNK
        pltpu.async_copy(rows_v.at[b], out_hbm.at[pl.ds(base, CHUNK)], wsem[b])

    def wait_write(b):
        pltpu.make_async_copy(rows_v.at[b], out_hbm.at[pl.ds(base0, CHUNK)],
                              wsem[b]).wait()

    fire_gathers(0, 0)

    def group_body(g, carry):
        for b in range(NBUF):
            i = g * NBUF + b

            if b == 0:
                @pl.when(g >= 1)
                def _():
                    wait_write(0)
                    fire_gathers(i, 0)
                    wait_gathers(NBUF - 1)
                    fire_write(i - 1, NBUF - 1)
            else:
                @pl.when(g >= 1)
                def _():
                    wait_write(b)
                fire_gathers(i, b)
                wait_gathers(b - 1)
                fire_write(i - 1, b - 1)
        return carry

    lax.fori_loop(0, N_CHUNKS // NBUF, group_body, 0)

    last = NBUF - 1
    wait_gathers(last)
    fire_write(N_CHUNKS - 1, last)
    for b in range(NBUF):
        wait_write(b)


def kernel(coords, embed_x, embed_y, embed_z):
    cx = coords[:, 0]
    cy = coords[:, 1]
    cz = coords[:, 2]
    mesh = plsc.VectorSubcoreMesh(core_axis_name="c", subcore_axis_name="s")
    run = pl.kernel(
        _sc_body,
        out_type=jax.ShapeDtypeStruct((N, CH), jnp.float32),
        mesh=mesh,
        scratch_types=[
            pltpu.VMEM((PER_W,), jnp.int32),
            pltpu.VMEM((PER_W,), jnp.int32),
            pltpu.VMEM((PER_W,), jnp.int32),
            pltpu.VMEM((NBUF, CHUNK, CH), jnp.float32),
        ] + [pltpu.SemaphoreType.DMA] * (2 * NBUF),
    )
    return run(cx, cy, cz, embed_x, embed_y, embed_z)

# --- scband reference (transcript-rebuilt; emitter-appended) ---
"""Pipeline reference for scband-absolute-position-embedder-20529943675440 (READ-ONLY COPY).

The authoritative reference and input builder live on the scoring server;
editing this copy changes nothing except your own understanding.
"""

import jax, jax.numpy as jnp
import numpy as np

CHANNELS = 384
MAX_POSITION = 1024
N = 262144
C3 = CHANNELS // 3            # 128
CZ = CHANNELS - 2 * C3        # 128


def setup_inputs(seed: int = 0) -> dict:
    key = jax.random.key(seed)
    k_coords, k_x, k_y, k_z = jax.random.split(key, 4)
    coords = jax.random.randint(k_coords, (N, 3), 0, MAX_POSITION, dtype=jnp.int64 if jax.config.jax_enable_x64 else jnp.int32).astype(jnp.int32)
    # embedding tables initialized like nn.Embedding (normal(0,1))
    embed_x = jax.random.normal(k_x, (MAX_POSITION, C3), dtype=jnp.float32)
    embed_y = jax.random.normal(k_y, (MAX_POSITION, C3), dtype=jnp.float32)
    embed_z = jax.random.normal(k_z, (MAX_POSITION, CZ), dtype=jnp.float32)
    return {"coords": coords, "embed_x": embed_x, "embed_y": embed_y, "embed_z": embed_z}


def reference(coords, embed_x, embed_y, embed_z):
    x = coords[:, 0]
    y = coords[:, 1]
    z = coords[:, 2]
    ex = jnp.take(embed_x, x, axis=0)
    ey = jnp.take(embed_y, y, axis=0)
    ez = jnp.take(embed_z, z, axis=0)
    return jnp.concatenate([ex, ey, ez], axis=-1)

if __name__ == "__main__":
    import jax
    _d = setup_inputs()
    print(jax.jit(kernel)(*tuple(_d.values())))

</pallas_src>

<mosaic_0001>
#map = affine_map<(d0, d1) -> (0)>
#map1 = affine_map<(d0, d1) -> (0, 0)>
module attributes {stable_mosaic.version = 14 : i64} {
  func.func @_sc_body(%arg0: i32, %arg1: i32, %arg2: memref<262144xi32, #tpu.memory_space<hbm>>, %arg3: memref<262144xi32, #tpu.memory_space<hbm>>, %arg4: memref<262144xi32, #tpu.memory_space<hbm>>, %arg5: memref<1024x128xf32, #tpu.memory_space<hbm>>, %arg6: memref<1024x128xf32, #tpu.memory_space<hbm>>, %arg7: memref<1024x128xf32, #tpu.memory_space<hbm>>, %arg8: memref<262144x384xf32, #tpu.memory_space<hbm>>, %arg9: memref<8192xi32, #tpu.memory_space<vmem>>, %arg10: memref<8192xi32, #tpu.memory_space<vmem>>, %arg11: memref<8192xi32, #tpu.memory_space<vmem>>, %arg12: memref<2x128x384xf32, #tpu.memory_space<vmem>>, %arg13: memref<!tpu.dma_semaphore, #tpu.memory_space<semaphore_mem>>, %arg14: memref<!tpu.dma_semaphore, #tpu.memory_space<semaphore_mem>>, %arg15: memref<!tpu.dma_semaphore, #tpu.memory_space<semaphore_mem>>, %arg16: memref<!tpu.dma_semaphore, #tpu.memory_space<semaphore_mem>>) attributes {dimension_semantics = [#tpu.dimension_semantics<core_parallel>, #tpu.dimension_semantics<subcore_parallel>], iteration_bounds = array<i64: 2, 16>, scalar_prefetch = 0 : i64, scratch_operands = 8 : i64, tpu.core_type = #tpu.core_type<sc_vector_subcore>, window_params = [{transform_indices = #map}, {transform_indices = #map}, {transform_indices = #map}, {transform_indices = #map1}, {transform_indices = #map1}, {transform_indices = #map1}, {transform_indices = #map1}]} {
    %mul3A = arith.constant 2 : i32
    %mul3A_0 = arith.muli %arg1, %mul3A : i32
    %add3A = arith.addi %mul3A_0, %arg0 : i32
    %mul3A_1 = arith.constant 8192 : i32
    %mul3A_2 = arith.muli %add3A, %mul3A_1 : i32
    "tpu.region"() ({
      %run_scoped3A = tpu.sem_alloc : memref<!tpu.dma_semaphore, #tpu.memory_space<semaphore_mem>>
      %dma_start3A_107 = tpu.memref_slice %arg2[%mul3A_2] : memref<262144xi32, #tpu.memory_space<hbm>> -> memref<8192xi32, #tpu.memory_space<hbm>>
      %dma_start3A_108 = tpu.memref_slice %arg2[%mul3A_2] : memref<262144xi32, #tpu.memory_space<hbm>> -> memref<8192xi32, #tpu.memory_space<hbm>>
      tpu.enqueue_dma source(%dma_start3A_108 : memref<8192xi32, #tpu.memory_space<hbm>>) target(%arg9 : memref<8192xi32, #tpu.memory_space<vmem>>) target_semaphore(%run_scoped3A : memref<!tpu.dma_semaphore, #tpu.memory_space<semaphore_mem>>)
      %dma_wait3A_109 = tpu.memref_slice %arg2[%mul3A_2] : memref<262144xi32, #tpu.memory_space<hbm>> -> memref<8192xi32, #tpu.memory_space<hbm>>
      %dma_wait3A_110 = tpu.memref_slice %arg2[%mul3A_2] : memref<262144xi32, #tpu.memory_space<hbm>> -> memref<8192xi32, #tpu.memory_space<hbm>>
      tpu.wait_dma2 semaphore(%run_scoped3A : memref<!tpu.dma_semaphore, #tpu.memory_space<semaphore_mem>>) src(%dma_wait3A_110 : memref<8192xi32, #tpu.memory_space<hbm>>) dst(%arg9 : memref<8192xi32, #tpu.memory_space<vmem>>)
      tpu.yield
    }) : () -> ()
    "tpu.region"() ({
      %run_scoped3A = tpu.sem_alloc : memref<!tpu.dma_semaphore, #tpu.memory_space<semaphore_mem>>
      %dma_start3A_107 = tpu.memref_slice %arg3[%mul3A_2] : memref<262144xi32, #tpu.memory_space<hbm>> -> memref<8192xi32, #tpu.memory_space<hbm>>
      %dma_start3A_108 = tpu.memref_slice %arg3[%mul3A_2] : memref<262144xi32, #tpu.memory_space<hbm>> -> memref<8192xi32, #tpu.memory_space<hbm>>
      tpu.enqueue_dma source(%dma_start3A_108 : memref<8192xi32, #tpu.memory_space<hbm>>) target(%arg10 : memref<8192xi32, #tpu.memory_space<vmem>>) target_semaphore(%run_scoped3A : memref<!tpu.dma_semaphore, #tpu.memory_space<semaphore_mem>>)
      %dma_wait3A_109 = tpu.memref_slice %arg3[%mul3A_2] : memref<262144xi32, #tpu.memory_space<hbm>> -> memref<8192xi32, #tpu.memory_space<hbm>>
      %dma_wait3A_110 = tpu.memref_slice %arg3[%mul3A_2] : memref<262144xi32, #tpu.memory_space<hbm>> -> memref<8192xi32, #tpu.memory_space<hbm>>
      tpu.wait_dma2 semaphore(%run_scoped3A : memref<!tpu.dma_semaphore, #tpu.memory_space<semaphore_mem>>) src(%dma_wait3A_110 : memref<8192xi32, #tpu.memory_space<hbm>>) dst(%arg10 : memref<8192xi32, #tpu.memory_space<vmem>>)
      tpu.yield
    }) : () -> ()
    "tpu.region"() ({
      %run_scoped3A = tpu.sem_alloc : memref<!tpu.dma_semaphore, #tpu.memory_space<semaphore_mem>>
      %dma_start3A_107 = tpu.memref_slice %arg4[%mul3A_2] : memref<262144xi32, #tpu.memory_space<hbm>> -> memref<8192xi32, #tpu.memory_space<hbm>>
      %dma_start3A_108 = tpu.memref_slice %arg4[%mul3A_2] : memref<262144xi32, #tpu.memory_space<hbm>> -> memref<8192xi32, #tpu.memory_space<hbm>>
      tpu.enqueue_dma source(%dma_start3A_108 : memref<8192xi32, #tpu.memory_space<hbm>>) target(%arg11 : memref<8192xi32, #tpu.memory_space<vmem>>) target_semaphore(%run_scoped3A : memref<!tpu.dma_semaphore, #tpu.memory_space<semaphore_mem>>)
      %dma_wait3A_109 = tpu.memref_slice %arg4[%mul3A_2] : memref<262144xi32, #tpu.memory_space<hbm>> -> memref<8192xi32, #tpu.memory_space<hbm>>
      %dma_wait3A_110 = tpu.memref_slice %arg4[%mul3A_2] : memref<262144xi32, #tpu.memory_space<hbm>> -> memref<8192xi32, #tpu.memory_space<hbm>>
      tpu.wait_dma2 semaphore(%run_scoped3A : memref<!tpu.dma_semaphore, #tpu.memory_space<semaphore_mem>>) src(%dma_wait3A_110 : memref<8192xi32, #tpu.memory_space<hbm>>) dst(%arg11 : memref<8192xi32, #tpu.memory_space<vmem>>)
      tpu.yield
    }) : () -> ()
    %dma_start3A = arith.constant 0 : i32
    %dma_start3A_3 = arith.constant 0 : i32
    %dma_start3A_4 = arith.constant 0 : i32
    %dma_start3A_5 = tpu.memref_slice %arg12[%dma_start3A, %dma_start3A_3, %dma_start3A_4] : memref<2x128x384xf32, #tpu.memory_space<vmem>> -> memref<1x128x128xf32, #tpu.memory_space<vmem>>
    %dma_start3A_6 = tpu.memref_squeeze %dma_start3A_5 : memref<1x128x128xf32, #tpu.memory_space<vmem>> -> memref<128x128xf32, #tpu.memory_space<vmem>>
    %dma_start3A_7 = arith.constant 0 : i32
    %dma_start3A_8 = tpu.memref_slice %arg9[%dma_start3A_7] : memref<8192xi32, #tpu.memory_space<vmem>> -> memref<128xi32, #tpu.memory_space<vmem>>
    %dma_start3A_9 = arith.constant 0 : i32
    %dma_start3A_10 = arith.constant 0 : i32
    %dma_start3A_11 = tpu.memref_slice %arg5[%dma_start3A_9, %dma_start3A_10] : memref<1024x128xf32, #tpu.memory_space<hbm>> -> memref<1024x128xf32, #tpu.memory_space<hbm>>
    tpu.enqueue_indirect_dma source(%dma_start3A_11 : memref<1024x128xf32, #tpu.memory_space<hbm>>) target(%dma_start3A_6 : memref<128x128xf32, #tpu.memory_space<vmem>>) offsets(%dma_start3A_8 : memref<128xi32, #tpu.memory_space<vmem>>) semaphore(%arg13 : memref<!tpu.dma_semaphore, #tpu.memory_space<semaphore_mem>>)
    %dma_start3A_12 = arith.constant 0 : i32
    %dma_start3A_13 = arith.constant 0 : i32
    %dma_start3A_14 = arith.constant 128 : i32
    %dma_start3A_15 = tpu.memref_slice %arg12[%dma_start3A_12, %dma_start3A_13, %dma_start3A_14] : memref<2x128x384xf32, #tpu.memory_space<vmem>> -> memref<1x128x128xf32, #tpu.memory_space<vmem>>
    %dma_start3A_16 = tpu.memref_squeeze %dma_start3A_15 : memref<1x128x128xf32, #tpu.memory_space<vmem>> -> memref<128x128xf32, #tpu.memory_space<vmem>>
    %dma_start3A_17 = arith.constant 0 : i32
    %dma_start3A_18 = tpu.memref_slice %arg10[%dma_start3A_17] : memref<8192xi32, #tpu.memory_space<vmem>> -> memref<128xi32, #tpu.memory_space<vmem>>
    %dma_start3A_19 = arith.constant 0 : i32
    %dma_start3A_20 = arith.constant 0 : i32
    %dma_start3A_21 = tpu.memref_slice %arg6[%dma_start3A_19, %dma_start3A_20] : memref<1024x128xf32, #tpu.memory_space<hbm>> -> memref<1024x128xf32, #tpu.memory_space<hbm>>
    tpu.enqueue_indirect_dma source(%dma_start3A_21 : memref<1024x128xf32, #tpu.memory_space<hbm>>) target(%dma_start3A_16 : memref<128x128xf32, #tpu.memory_space<vmem>>) offsets(%dma_start3A_18 : memref<128xi32, #tpu.memory_space<vmem>>) semaphore(%arg13 : memref<!tpu.dma_semaphore, #tpu.memory_space<semaphore_mem>>)
    %dma_start3A_22 = arith.constant 0 : i32
    %dma_start3A_23 = arith.constant 0 : i32
    %dma_start3A_24 = arith.constant 256 : i32
    %dma_start3A_25 = tpu.memref_slice %arg12[%dma_start3A_22, %dma_start3A_23, %dma_start3A_24] : memref<2x128x384xf32, #tpu.memory_space<vmem>> -> memref<1x128x128xf32, #tpu.memory_space<vmem>>
    %dma_start3A_26 = tpu.memref_squeeze %dma_start3A_25 : memref<1x128x128xf32, #tpu.memory_space<vmem>> -> memref<128x128xf32, #tpu.memory_space<vmem>>
    %dma_start3A_27 = arith.constant 0 : i32
    %dma_start3A_28 = tpu.memref_slice %arg11[%dma_start3A_27] : memref<8192xi32, #tpu.memory_space<vmem>> -> memref<128xi32, #tpu.memory_space<vmem>>
    %dma_start3A_29 = arith.constant 0 : i32
    %dma_start3A_30 = arith.constant 0 : i32
    %dma_start3A_31 = tpu.memref_slice %arg7[%dma_start3A_29, %dma_start3A_30] : memref<1024x128xf32, #tpu.memory_space<hbm>> -> memref<1024x128xf32, #tpu.memory_space<hbm>>
    tpu.enqueue_indirect_dma source(%dma_start3A_31 : memref<1024x128xf32, #tpu.memory_space<hbm>>) target(%dma_start3A_26 : memref<128x128xf32, #tpu.memory_space<vmem>>) offsets(%dma_start3A_28 : memref<128xi32, #tpu.memory_space<vmem>>) semaphore(%arg13 : memref<!tpu.dma_semaphore, #tpu.memory_space<semaphore_mem>>)
    %scan3A = arith.constant 0 : i32
    %scan3A_32 = arith.constant 0 : i32
    %scan3A_33 = arith.constant 32 : i32
    %scan3A_34 = arith.addi %scan3A_32, %scan3A_33 : i32
    %scan3A_35 = arith.constant 1 : i32
    scf.for %scan3A_107 = %scan3A_32 to %scan3A_34 step %scan3A_35  : i32 {
      %mul3A_108 = arith.constant 2 : i32
      %mul3A_109 = arith.muli %scan3A_107, %mul3A_108 : i32
      %add3A_110 = arith.constant 0 : i32
      %add3A_111 = arith.addi %mul3A_109, %add3A_110 : i32
      %ge3A = arith.constant 1 : i32
      %ge3A_112 = arith.cmpi sge, %scan3A_107, %ge3A : i32
      %convert_element_type3A = arith.extui %ge3A_112 : i1 to i32
      %cond3A = arith.constant 0 : i32
      %cond3A_113 = arith.cmpi ne, %convert_element_type3A, %cond3A : i32
      scf.if %cond3A_113 {
        %dma_wait3A_203 = arith.constant 0 : i32
        %dma_wait3A_204 = arith.constant 0 : i32
        %dma_wait3A_205 = arith.constant 0 : i32
        %dma_wait3A_206 = tpu.memref_slice %arg12[%dma_wait3A_203, %dma_wait3A_204, %dma_wait3A_205] : memref<2x128x384xf32, #tpu.memory_space<vmem>> -> memref<1x128x384xf32, #tpu.memory_space<vmem>>
        %dma_wait3A_207 = tpu.memref_squeeze %dma_wait3A_206 : memref<1x128x384xf32, #tpu.memory_space<vmem>> -> memref<128x384xf32, #tpu.memory_space<vmem>>
        %dma_wait3A_208 = arith.constant 0 : i32
        %dma_wait3A_209 = tpu.memref_slice %arg8[%mul3A_2, %dma_wait3A_208] : memref<262144x384xf32, #tpu.memory_space<hbm>> -> memref<128x384xf32, #tpu.memory_space<hbm>>
        %dma_wait3A_210 = arith.constant 0 : i32
        %dma_wait3A_211 = tpu.memref_slice %arg8[%mul3A_2, %dma_wait3A_210] : memref<262144x384xf32, #tpu.memory_space<hbm>> -> memref<128x384xf32, #tpu.memory_space<hbm>>
        %dma_wait3A_212 = arith.constant 0 : i32
        %dma_wait3A_213 = arith.constant 0 : i32
        %dma_wait3A_214 = tpu.memref_slice %arg12[%dma_wait3A_203, %dma_wait3A_212, %dma_wait3A_213] : memref<2x128x384xf32, #tpu.memory_space<vmem>> -> memref<1x128x384xf32, #tpu.memory_space<vmem>>
        %dma_wait3A_215 = tpu.memref_squeeze %dma_wait3A_214 : memref<1x128x384xf32, #tpu.memory_space<vmem>> -> memref<128x384xf32, #tpu.memory_space<vmem>>
        tpu.wait_dma2 semaphore(%arg15 : memref<!tpu.dma_semaphore, #tpu.memory_space<semaphore_mem>>) src(%dma_wait3A_215 : memref<128x384xf32, #tpu.memory_space<vmem>>) dst(%dma_wait3A_211 : memref<128x384xf32, #tpu.memory_space<hbm>>)
        %mul3A_216 = arith.constant 128 : i32
        %mul3A_217 = arith.muli %add3A_111, %mul3A_216 : i32
        %dma_start3A_218 = arith.constant 0 : i32
        %dma_start3A_219 = arith.constant 0 : i32
        %dma_start3A_220 = arith.constant 0 : i32
        %dma_start3A_221 = tpu.memref_slice %arg12[%dma_start3A_218, %dma_start3A_219, %dma_start3A_220] : memref<2x128x384xf32, #tpu.memory_space<vmem>> -> memref<1x128x128xf32, #tpu.memory_space<vmem>>
        %dma_start3A_222 = tpu.memref_squeeze %dma_start3A_221 : memref<1x128x128xf32, #tpu.memory_space<vmem>> -> memref<128x128xf32, #tpu.memory_space<vmem>>
        %dma_start3A_223 = tpu.memref_slice %arg9[%mul3A_217] : memref<8192xi32, #tpu.memory_space<vmem>> -> memref<128xi32, #tpu.memory_space<vmem>>
        %dma_start3A_224 = arith.constant 0 : i32
        %dma_start3A_225 = arith.constant 0 : i32
        %dma_start3A_226 = tpu.memref_slice %arg5[%dma_start3A_224, %dma_start3A_225] : memref<1024x128xf32, #tpu.memory_space<hbm>> -> memref<1024x128xf32, #tpu.memory_space<hbm>>
        tpu.enqueue_indirect_dma source(%dma_start3A_226 : memref<1024x128xf32, #tpu.memory_space<hbm>>) target(%dma_start3A_222 : memref<128x128xf32, #tpu.memory_space<vmem>>) offsets(%dma_start3A_223 : memref<128xi32, #tpu.memory_space<vmem>>) semaphore(%arg13 : memref<!tpu.dma_semaphore, #tpu.memory_space<semaphore_mem>>)
        %mul3A_227 = arith.constant 128 : i32
        %mul3A_228 = arith.muli %add3A_111, %mul3A_227 : i32
        %dma_start3A_229 = arith.constant 0 : i32
        %dma_start3A_230 = arith.constant 0 : i32
        %dma_start3A_231 = arith.constant 128 : i32
        %dma_start3A_232 = tpu.memref_slice %arg12[%dma_start3A_229, %dma_start3A_230, %dma_start3A_231] : memref<2x128x384xf32, #tpu.memory_space<vmem>> -> memref<1x128x128xf32, #tpu.memory_space<vmem>>
        %dma_start3A_233 = tpu.memref_squeeze %dma_start3A_232 : memref<1x128x128xf32, #tpu.memory_space<vmem>> -> memref<128x128xf32, #tpu.memory_space<vmem>>
        %dma_start3A_234 = tpu.memref_slice %arg10[%mul3A_228] : memref<8192xi32, #tpu.memory_space<vmem>> -> memref<128xi32, #tpu.memory_space<vmem>>
        %dma_start3A_235 = arith.constant 0 : i32
        %dma_start3A_236 = arith.constant 0 : i32
        %dma_start3A_237 = tpu.memref_slice %arg6[%dma_start3A_235, %dma_start3A_236] : memref<1024x128xf32, #tpu.memory_space<hbm>> -> memref<1024x128xf32, #tpu.memory_space<hbm>>
        tpu.enqueue_indirect_dma source(%dma_start3A_237 : memref<1024x128xf32, #tpu.memory_space<hbm>>) target(%dma_start3A_233 : memref<128x128xf32, #tpu.memory_space<vmem>>) offsets(%dma_start3A_234 : memref<128xi32, #tpu.memory_space<vmem>>) semaphore(%arg13 : memref<!tpu.dma_semaphore, #tpu.memory_space<semaphore_mem>>)
        %mul3A_238 = arith.constant 128 : i32
        %mul3A_239 = arith.muli %add3A_111, %mul3A_238 : i32
        %dma_start3A_240 = arith.constant 0 : i32
        %dma_start3A_241 = arith.constant 0 : i32
        %dma_start3A_242 = arith.constant 256 : i32
        %dma_start3A_243 = tpu.memref_slice %arg12[%dma_start3A_240, %dma_start3A_241, %dma_start3A_242] : memref<2x128x384xf32, #tpu.memory_space<vmem>> -> memref<1x128x128xf32, #tpu.memory_space<vmem>>
        %dma_start3A_244 = tpu.memref_squeeze %dma_start3A_243 : memref<1x128x128xf32, #tpu.memory_space<vmem>> -> memref<128x128xf32, #tpu.memory_space<vmem>>
        %dma_start3A_245 = tpu.memref_slice %arg11[%mul3A_239] : memref<8192xi32, #tpu.memory_space<vmem>> -> memref<128xi32, #tpu.memory_space<vmem>>
        %dma_start3A_246 = arith.constant 0 : i32
        %dma_start3A_247 = arith.constant 0 : i32
        %dma_start3A_248 = tpu.memref_slice %arg7[%dma_start3A_246, %dma_start3A_247] : memref<1024x128xf32, #tpu.memory_space<hbm>> -> memref<1024x128xf32, #tpu.memory_space<hbm>>
        tpu.enqueue_indirect_dma source(%dma_start3A_248 : memref<1024x128xf32, #tpu.memory_space<hbm>>) target(%dma_start3A_244 : memref<128x128xf32, #tpu.memory_space<vmem>>) offsets(%dma_start3A_245 : memref<128xi32, #tpu.memory_space<vmem>>) semaphore(%arg13 : memref<!tpu.dma_semaphore, #tpu.memory_space<semaphore_mem>>)
        %dma_wait3A_249 = arith.constant 1 : i32
        %dma_wait3A_250 = arith.constant 0 : i32
        %dma_wait3A_251 = arith.constant 0 : i32
        %dma_wait3A_252 = tpu.memref_slice %arg12[%dma_wait3A_249, %dma_wait3A_250, %dma_wait3A_251] : memref<2x128x384xf32, #tpu.memory_space<vmem>> -> memref<1x128x128xf32, #tpu.memory_space<vmem>>
        %dma_wait3A_253 = tpu.memref_squeeze %dma_wait3A_252 : memref<1x128x128xf32, #tpu.memory_space<vmem>> -> memref<128x128xf32, #tpu.memory_space<vmem>>
        %dma_wait3A_254 = arith.constant 0 : i32
        %dma_wait3A_255 = tpu.memref_slice %arg9[%dma_wait3A_254] : memref<8192xi32, #tpu.memory_space<vmem>> -> memref<128xi32, #tpu.memory_space<vmem>>
        %dma_wait3A_256 = arith.constant 0 : i32
        %dma_wait3A_257 = arith.constant 0 : i32
        %dma_wait3A_258 = tpu.memref_slice %arg5[%dma_wait3A_256, %dma_wait3A_257] : memref<1024x128xf32, #tpu.memory_space<hbm>> -> memref<1024x128xf32, #tpu.memory_space<hbm>>
        tpu.wait_indirect_dma semaphore(%arg14 : memref<!tpu.dma_semaphore, #tpu.memory_space<semaphore_mem>>) src(%dma_wait3A_258 : memref<1024x128xf32, #tpu.memory_space<hbm>>) dst(%dma_wait3A_253 : memref<128x128xf32, #tpu.memory_space<vmem>>)
        %dma_wait3A_259 = arith.constant 1 : i32
        %dma_wait3A_260 = arith.constant 0 : i32
        %dma_wait3A_261 = arith.constant 128 : i32
        %dma_wait3A_262 = tpu.memref_slice %arg12[%dma_wait3A_259, %dma_wait3A_260, %dma_wait3A_261] : memref<2x128x384xf32, #tpu.memory_space<vmem>> -> memref<1x128x128xf32, #tpu.memory_space<vmem>>
        %dma_wait3A_263 = tpu.memref_squeeze %dma_wait3A_262 : memref<1x128x128xf32, #tpu.memory_space<vmem>> -> memref<128x128xf32, #tpu.memory_space<vmem>>
        %dma_wait3A_264 = arith.constant 0 : i32
        %dma_wait3A_265 = tpu.memref_slice %arg10[%dma_wait3A_264] : memref<8192xi32, #tpu.memory_space<vmem>> -> memref<128xi32, #tpu.memory_space<vmem>>
        %dma_wait3A_266 = arith.constant 0 : i32
        %dma_wait3A_267 = arith.constant 0 : i32
        %dma_wait3A_268 = tpu.memref_slice %arg6[%dma_wait3A_266, %dma_wait3A_267] : memref<1024x128xf32, #tpu.memory_space<hbm>> -> memref<1024x128xf32, #tpu.memory_space<hbm>>
        tpu.wait_indirect_dma semaphore(%arg14 : memref<!tpu.dma_semaphore, #tpu.memory_space<semaphore_mem>>) src(%dma_wait3A_268 : memref<1024x128xf32, #tpu.memory_space<hbm>>) dst(%dma_wait3A_263 : memref<128x128xf32, #tpu.memory_space<vmem>>)
        %dma_wait3A_269 = arith.constant 1 : i32
        %dma_wait3A_270 = arith.constant 0 : i32
        %dma_wait3A_271 = arith.constant 256 : i32
        %dma_wait3A_272 = tpu.memref_slice %arg12[%dma_wait3A_269, %dma_wait3A_270, %dma_wait3A_271] : memref<2x128x384xf32, #tpu.memory_space<vmem>> -> memref<1x128x128xf32, #tpu.memory_space<vmem>>
        %dma_wait3A_273 = tpu.memref_squeeze %dma_wait3A_272 : memref<1x128x128xf32, #tpu.memory_space<vmem>> -> memref<128x128xf32, #tpu.memory_space<vmem>>
        %dma_wait3A_274 = arith.constant 0 : i32
        %dma_wait3A_275 = tpu.memref_slice %arg11[%dma_wait3A_274] : memref<8192xi32, #tpu.memory_space<vmem>> -> memref<128xi32, #tpu.memory_space<vmem>>
        %dma_wait3A_276 = arith.constant 0 : i32
        %dma_wait3A_277 = arith.constant 0 : i32
        %dma_wait3A_278 = tpu.memref_slice %arg7[%dma_wait3A_276, %dma_wait3A_277] : memref<1024x128xf32, #tpu.memory_space<hbm>> -> memref<1024x128xf32, #tpu.memory_space<hbm>>
        tpu.wait_indirect_dma semaphore(%arg14 : memref<!tpu.dma_semaphore, #tpu.memory_space<semaphore_mem>>) src(%dma_wait3A_278 : memref<1024x128xf32, #tpu.memory_space<hbm>>) dst(%dma_wait3A_273 : memref<128x128xf32, #tpu.memory_space<vmem>>)
        %sub3A_279 = arith.constant 1 : i32
        %sub3A_280 = arith.subi %add3A_111, %sub3A_279 : i32
        %mul3A_281 = arith.constant 128 : i32
        %mul3A_282 = arith.muli %sub3A_280, %mul3A_281 : i32
        %add3A_283 = arith.addi %mul3A_2, %mul3A_282 : i32
        %dma_start3A_284 = arith.constant 1 : i32
        %dma_start3A_285 = arith.constant 0 : i32
        %dma_start3A_286 = arith.constant 0 : i32
        %dma_start3A_287 = tpu.memref_slice %arg12[%dma_start3A_284, %dma_start3A_285, %dma_start3A_286] : memref<2x128x384xf32, #tpu.memory_space<vmem>> -> memref<1x128x384xf32, #tpu.memory_space<vmem>>
        %dma_start3A_288 = tpu.memref_squeeze %dma_start3A_287 : memref<1x128x384xf32, #tpu.memory_space<vmem>> -> memref<128x384xf32, #tpu.memory_space<vmem>>
        %dma_start3A_289 = arith.constant 0 : i32
        %dma_start3A_290 = tpu.memref_slice %arg8[%add3A_283, %dma_start3A_289] : memref<262144x384xf32, #tpu.memory_space<hbm>> -> memref<128x384xf32, #tpu.memory_space<hbm>>
        %dma_start3A_291 = arith.constant 0 : i32
        %dma_start3A_292 = tpu.memref_slice %arg8[%add3A_283, %dma_start3A_291] : memref<262144x384xf32, #tpu.memory_space<hbm>> -> memref<128x384xf32, #tpu.memory_space<hbm>>
        %dma_start3A_293 = arith.constant 0 : i32
        %dma_start3A_294 = arith.constant 0 : i32
        %dma_start3A_295 = tpu.memref_slice %arg12[%dma_start3A_284, %dma_start3A_293, %dma_start3A_294] : memref<2x128x384xf32, #tpu.memory_space<vmem>> -> memref<1x128x384xf32, #tpu.memory_space<vmem>>
        %dma_start3A_296 = tpu.memref_squeeze %dma_start3A_295 : memref<1x128x384xf32, #tpu.memory_space<vmem>> -> memref<128x384xf32, #tpu.memory_space<vmem>>
        tpu.enqueue_dma source(%dma_start3A_296 : memref<128x384xf32, #tpu.memory_space<vmem>>) target(%dma_start3A_292 : memref<128x384xf32, #tpu.memory_space<hbm>>) target_semaphore(%arg16 : memref<!tpu.dma_semaphore, #tpu.memory_space<semaphore_mem>>)
      } else {
      }
      %mul3A_114 = arith.constant 2 : i32
      %mul3A_115 = arith.muli %scan3A_107, %mul3A_114 : i32
      %add3A_116 = arith.constant 1 : i32
      %add3A_117 = arith.addi %mul3A_115, %add3A_116 : i32
      %ge3A_118 = arith.constant 1 : i32
      %ge3A_119 = arith.cmpi sge, %scan3A_107, %ge3A_118 : i32
      %convert_element_type3A_120 = arith.extui %ge3A_119 : i1 to i32
      %cond3A_121 = arith.constant 0 : i32
      %cond3A_122 = arith.cmpi ne, %convert_element_type3A_120, %cond3A_121 : i32
      scf.if %cond3A_122 {
        %dma_wait3A_203 = arith.constant 1 : i32
        %dma_wait3A_204 = arith.constant 0 : i32
        %dma_wait3A_205 = arith.constant 0 : i32
        %dma_wait3A_206 = tpu.memref_slice %arg12[%dma_wait3A_203, %dma_wait3A_204, %dma_wait3A_205] : memref<2x128x384xf32, #tpu.memory_space<vmem>> -> memref<1x128x384xf32, #tpu.memory_space<vmem>>
        %dma_wait3A_207 = tpu.memref_squeeze %dma_wait3A_206 : memref<1x128x384xf32, #tpu.memory_space<vmem>> -> memref<128x384xf32, #tpu.memory_space<vmem>>
        %dma_wait3A_208 = arith.constant 0 : i32
        %dma_wait3A_209 = tpu.memref_slice %arg8[%mul3A_2, %dma_wait3A_208] : memref<262144x384xf32, #tpu.memory_space<hbm>> -> memref<128x384xf32, #tpu.memory_space<hbm>>
        %dma_wait3A_210 = arith.constant 0 : i32
        %dma_wait3A_211 = tpu.memref_slice %arg8[%mul3A_2, %dma_wait3A_210] : memref<262144x384xf32, #tpu.memory_space<hbm>> -> memref<128x384xf32, #tpu.memory_space<hbm>>
        %dma_wait3A_212 = arith.constant 0 : i32
        %dma_wait3A_213 = arith.constant 0 : i32
        %dma_wait3A_214 = tpu.memref_slice %arg12[%dma_wait3A_203, %dma_wait3A_212, %dma_wait3A_213] : memref<2x128x384xf32, #tpu.memory_space<vmem>> -> memref<1x128x384xf32, #tpu.memory_space<vmem>>
        %dma_wait3A_215 = tpu.memref_squeeze %dma_wait3A_214 : memref<1x128x384xf32, #tpu.memory_space<vmem>> -> memref<128x384xf32, #tpu.memory_space<vmem>>
        tpu.wait_dma2 semaphore(%arg16 : memref<!tpu.dma_semaphore, #tpu.memory_space<semaphore_mem>>) src(%dma_wait3A_215 : memref<128x384xf32, #tpu.memory_space<vmem>>) dst(%dma_wait3A_211 : memref<128x384xf32, #tpu.memory_space<hbm>>)
      } else {
      }
      %mul3A_123 = arith.constant 128 : i32
      %mul3A_124 = arith.muli %add3A_117, %mul3A_123 : i32
      %dma_start3A_125 = arith.constant 1 : i32
      %dma_start3A_126 = arith.constant 0 : i32
      %dma_start3A_127 = arith.constant 0 : i32
      %dma_start3A_128 = tpu.memref_slice %arg12[%dma_start3A_125, %dma_start3A_126, %dma_start3A_127] : memref<2x128x384xf32, #tpu.memory_space<vmem>> -> memref<1x128x128xf32, #tpu.memory_space<vmem>>
      %dma_start3A_129 = tpu.memref_squeeze %dma_start3A_128 : memref<1x128x128xf32, #tpu.memory_space<vmem>> -> memref<128x128xf32, #tpu.memory_space<vmem>>
      %dma_start3A_130 = tpu.memref_slice %arg9[%mul3A_124] : memref<8192xi32, #tpu.memory_space<vmem>> -> memref<128xi32, #tpu.memory_space<vmem>>
      %dma_start3A_131 = arith.constant 0 : i32
      %dma_start3A_132 = arith.constant 0 : i32
      %dma_start3A_133 = tpu.memref_slice %arg5[%dma_start3A_131, %dma_start3A_132] : memref<1024x128xf32, #tpu.memory_space<hbm>> -> memref<1024x128xf32, #tpu.memory_space<hbm>>
      tpu.enqueue_indirect_dma source(%dma_start3A_133 : memref<1024x128xf32, #tpu.memory_space<hbm>>) target(%dma_start3A_129 : memref<128x128xf32, #tpu.memory_space<vmem>>) offsets(%dma_start3A_130 : memref<128xi32, #tpu.memory_space<vmem>>) semaphore(%arg14 : memref<!tpu.dma_semaphore, #tpu.memory_space<semaphore_mem>>)
      %mul3A_134 = arith.constant 128 : i32
      %mul3A_135 = arith.muli %add3A_117, %mul3A_134 : i32
      %dma_start3A_136 = arith.constant 1 : i32
      %dma_start3A_137 = arith.constant 0 : i32
      %dma_start3A_138 = arith.constant 128 : i32
      %dma_start3A_139 = tpu.memref_slice %arg12[%dma_start3A_136, %dma_start3A_137, %dma_start3A_138] : memref<2x128x384xf32, #tpu.memory_space<vmem>> -> memref<1x128x128xf32, #tpu.memory_space<vmem>>
      %dma_start3A_140 = tpu.memref_squeeze %dma_start3A_139 : memref<1x128x128xf32, #tpu.memory_space<vmem>> -> memref<128x128xf32, #tpu.memory_space<vmem>>
      %dma_start3A_141 = tpu.memref_slice %arg10[%mul3A_135] : memref<8192xi32, #tpu.memory_space<vmem>> -> memref<128xi32, #tpu.memory_space<vmem>>
      %dma_start3A_142 = arith.constant 0 : i32
      %dma_start3A_143 = arith.constant 0 : i32
      %dma_start3A_144 = tpu.memref_slice %arg6[%dma_start3A_142, %dma_start3A_143] : memref<1024x128xf32, #tpu.memory_space<hbm>> -> memref<1024x128xf32, #tpu.memory_space<hbm>>
      tpu.enqueue_indirect_dma source(%dma_start3A_144 : memref<1024x128xf32, #tpu.memory_space<hbm>>) target(%dma_start3A_140 : memref<128x128xf32, #tpu.memory_space<vmem>>) offsets(%dma_start3A_141 : memref<128xi32, #tpu.memory_space<vmem>>) semaphore(%arg14 : memref<!tpu.dma_semaphore, #tpu.memory_space<semaphore_mem>>)
      %mul3A_145 = arith.constant 128 : i32
      %mul3A_146 = arith.muli %add3A_117, %mul3A_145 : i32
      %dma_start3A_147 = arith.constant 1 : i32
      %dma_start3A_148 = arith.constant 0 : i32
      %dma_start3A_149 = arith.constant 256 : i32
      %dma_start3A_150 = tpu.memref_slice %arg12[%dma_start3A_147, %dma_start3A_148, %dma_start3A_149] : memref<2x128x384xf32, #tpu.memory_space<vmem>> -> memref<1x128x128xf32, #tpu.memory_space<vmem>>
      %dma_start3A_151 = tpu.memref_squeeze %dma_start3A_150 : memref<1x128x128xf32, #tpu.memory_space<vmem>> -> memref<128x128xf32, #tpu.memory_space<vmem>>
      %dma_start3A_152 = tpu.memref_slice %arg11[%mul3A_146] : memref<8192xi32, #tpu.memory_space<vmem>> -> memref<128xi32, #tpu.memory_space<vmem>>
      %dma_start3A_153 = arith.constant 0 : i32
      %dma_start3A_154 = arith.constant 0 : i32
      %dma_start3A_155 = tpu.memref_slice %arg7[%dma_start3A_153, %dma_start3A_154] : memref<1024x128xf32, #tpu.memory_space<hbm>> -> memref<1024x128xf32, #tpu.memory_space<hbm>>
      tpu.enqueue_indirect_dma source(%dma_start3A_155 : memref<1024x128xf32, #tpu.memory_space<hbm>>) target(%dma_start3A_151 : memref<128x128xf32, #tpu.memory_space<vmem>>) offsets(%dma_start3A_152 : memref<128xi32, #tpu.memory_space<vmem>>) semaphore(%arg14 : memref<!tpu.dma_semaphore, #tpu.memory_space<semaphore_mem>>)
      %dma_wait3A_156 = arith.constant 0 : i32
      %dma_wait3A_157 = arith.constant 0 : i32
      %dma_wait3A_158 = arith.constant 0 : i32
      %dma_wait3A_159 = tpu.memref_slice %arg12[%dma_wait3A_156, %dma_wait3A_157, %dma_wait3A_158] : memref<2x128x384xf32, #tpu.memory_space<vmem>> -> memref<1x128x128xf32, #tpu.memory_space<vmem>>
      %dma_wait3A_160 = tpu.memref_squeeze %dma_wait3A_159 : memref<1x128x128xf32, #tpu.memory_space<vmem>> -> memref<128x128xf32, #tpu.memory_space<vmem>>
      %dma_wait3A_161 = arith.constant 0 : i32
      %dma_wait3A_162 = tpu.memref_slice %arg9[%dma_wait3A_161] : memref<8192xi32, #tpu.memory_space<vmem>> -> memref<128xi32, #tpu.memory_space<vmem>>
      %dma_wait3A_163 = arith.constant 0 : i32
      %dma_wait3A_164 = arith.constant 0 : i32
      %dma_wait3A_165 = tpu.memref_slice %arg5[%dma_wait3A_163, %dma_wait3A_164] : memref<1024x128xf32, #tpu.memory_space<hbm>> -> memref<1024x128xf32, #tpu.memory_space<hbm>>
      tpu.wait_indirect_dma semaphore(%arg13 : memref<!tpu.dma_semaphore, #tpu.memory_space<semaphore_mem>>) src(%dma_wait3A_165 : memref<1024x128xf32, #tpu.memory_space<hbm>>) dst(%dma_wait3A_160 : memref<128x128xf32, #tpu.memory_space<vmem>>)
      %dma_wait3A_166 = arith.constant 0 : i32
      %dma_wait3A_167 = arith.constant 0 : i32
      %dma_wait3A_168 = arith.constant 128 : i32
      %dma_wait3A_169 = tpu.memref_slice %arg12[%dma_wait3A_166, %dma_wait3A_167, %dma_wait3A_168] : memref<2x128x384xf32, #tpu.memory_space<vmem>> -> memref<1x128x128xf32, #tpu.memory_space<vmem>>
      %dma_wait3A_170 = tpu.memref_squeeze %dma_wait3A_169 : memref<1x128x128xf32, #tpu.memory_space<vmem>> -> memref<128x128xf32, #tpu.memory_space<vmem>>
      %dma_wait3A_171 = arith.constant 0 : i32
      %dma_wait3A_172 = tpu.memref_slice %arg10[%dma_wait3A_171] : memref<8192xi32, #tpu.memory_space<vmem>> -> memref<128xi32, #tpu.memory_space<vmem>>
      %dma_wait3A_173 = arith.constant 0 : i32
      %dma_wait3A_174 = arith.constant 0 : i32
      %dma_wait3A_175 = tpu.memref_slice %arg6[%dma_wait3A_173, %dma_wait3A_174] : memref<1024x128xf32, #tpu.memory_space<hbm>> -> memref<1024x128xf32, #tpu.memory_space<hbm>>
      tpu.wait_indirect_dma semaphore(%arg13 : memref<!tpu.dma_semaphore, #tpu.memory_space<semaphore_mem>>) src(%dma_wait3A_175 : memref<1024x128xf32, #tpu.memory_space<hbm>>) dst(%dma_wait3A_170 : memref<128x128xf32, #tpu.memory_space<vmem>>)
      %dma_wait3A_176 = arith.constant 0 : i32
      %dma_wait3A_177 = arith.constant 0 : i32
      %dma_wait3A_178 = arith.constant 256 : i32
      %dma_wait3A_179 = tpu.memref_slice %arg12[%dma_wait3A_176, %dma_wait3A_177, %dma_wait3A_178] : memref<2x128x384xf32, #tpu.memory_space<vmem>> -> memref<1x128x128xf32, #tpu.memory_space<vmem>>
      %dma_wait3A_180 = tpu.memref_squeeze %dma_wait3A_179 : memref<1x128x128xf32, #tpu.memory_space<vmem>> -> memref<128x128xf32, #tpu.memory_space<vmem>>
      %dma_wait3A_181 = arith.constant 0 : i32
      %dma_wait3A_182 = tpu.memref_slice %arg11[%dma_wait3A_181] : memref<8192xi32, #tpu.memory_space<vmem>> -> memref<128xi32, #tpu.memory_space<vmem>>
      %dma_wait3A_183 = arith.constant 0 : i32
      %dma_wait3A_184 = arith.constant 0 : i32
      %dma_wait3A_185 = tpu.memref_slice %arg7[%dma_wait3A_183, %dma_wait3A_184] : memref<1024x128xf32, #tpu.memory_space<hbm>> -> memref<1024x128xf32, #tpu.memory_space<hbm>>
      tpu.wait_indirect_dma semaphore(%arg13 : memref<!tpu.dma_semaphore, #tpu.memory_space<semaphore_mem>>) src(%dma_wait3A_185 : memref<1024x128xf32, #tpu.memory_space<hbm>>) dst(%dma_wait3A_180 : memref<128x128xf32, #tpu.memory_space<vmem>>)
      %sub3A = arith.constant 1 : i32
      %sub3A_186 = arith.subi %add3A_117, %sub3A : i32
      %mul3A_187 = arith.constant 128 : i32
      %mul3A_188 = arith.muli %sub3A_186, %mul3A_187 : i32
      %add3A_189 = arith.addi %mul3A_2, %mul3A_188 : i32
      %dma_start3A_190 = arith.constant 0 : i32
      %dma_start3A_191 = arith.constant 0 : i32
      %dma_start3A_192 = arith.constant 0 : i32
      %dma_start3A_193 = tpu.memref_slice %arg12[%dma_start3A_190, %dma_start3A_191, %dma_start3A_192] : memref<2x128x384xf32, #tpu.memory_space<vmem>> -> memref<1x128x384xf32, #tpu.memory_space<vmem>>
      %dma_start3A_194 = tpu.memref_squeeze %dma_start3A_193 : memref<1x128x384xf32, #tpu.memory_space<vmem>> -> memref<128x384xf32, #tpu.memory_space<vmem>>
      %dma_start3A_195 = arith.constant 0 : i32
      %dma_start3A_196 = tpu.memref_slice %arg8[%add3A_189, %dma_start3A_195] : memref<262144x384xf32, #tpu.memory_space<hbm>> -> memref<128x384xf32, #tpu.memory_space<hbm>>
      %dma_start3A_197 = arith.constant 0 : i32
      %dma_start3A_198 = tpu.memref_slice %arg8[%add3A_189, %dma_start3A_197] : memref<262144x384xf32, #tpu.memory_space<hbm>> -> memref<128x384xf32, #tpu.memory_space<hbm>>
      %dma_start3A_199 = arith.constant 0 : i32
      %dma_start3A_200 = arith.constant 0 : i32
      %dma_start3A_201 = tpu.memref_slice %arg12[%dma_start3A_190, %dma_start3A_199, %dma_start3A_200] : memref<2x128x384xf32, #tpu.memory_space<vmem>> -> memref<1x128x384xf32, #tpu.memory_space<vmem>>
      %dma_start3A_202 = tpu.memref_squeeze %dma_start3A_201 : memref<1x128x384xf32, #tpu.memory_space<vmem>> -> memref<128x384xf32, #tpu.memory_space<vmem>>
      tpu.enqueue_dma source(%dma_start3A_202 : memref<128x384xf32, #tpu.memory_space<vmem>>) target(%dma_start3A_198 : memref<128x384xf32, #tpu.memory_space<hbm>>) target_semaphore(%arg15 : memref<!tpu.dma_semaphore, #tpu.memory_space<semaphore_mem>>)
    }
    %scan3A_36 = arith.constant 32 : i32
    %dma_wait3A = arith.constant 1 : i32
    %dma_wait3A_37 = arith.constant 0 : i32
    %dma_wait3A_38 = arith.constant 0 : i32
    %dma_wait3A_39 = tpu.memref_slice %arg12[%dma_wait3A, %dma_wait3A_37, %dma_wait3A_38] : memref<2x128x384xf32, #tpu.memory_space<vmem>> -> memref<1x128x128xf32, #tpu.memory_space<vmem>>
    %dma_wait3A_40 = tpu.memref_squeeze %dma_wait3A_39 : memref<1x128x128xf32, #tpu.memory_space<vmem>> -> memref<128x128xf32, #tpu.memory_space<vmem>>
    %dma_wait3A_41 = arith.constant 0 : i32
    %dma_wait3A_42 = tpu.memref_slice %arg9[%dma_wait3A_41] : memref<8192xi32, #tpu.memory_space<vmem>> -> memref<128xi32, #tpu.memory_space<vmem>>
    %dma_wait3A_43 = arith.constant 0 : i32
    %dma_wait3A_44 = arith.constant 0 : i32
    %dma_wait3A_45 = tpu.memref_slice %arg5[%dma_wait3A_43, %dma_wait3A_44] : memref<1024x128xf32, #tpu.memory_space<hbm>> -> memref<1024x128xf32, #tpu.memory_space<hbm>>
    tpu.wait_indirect_dma semaphore(%arg14 : memref<!tpu.dma_semaphore, #tpu.memory_space<semaphore_mem>>) src(%dma_wait3A_45 : memref<1024x128xf32, #tpu.memory_space<hbm>>) dst(%dma_wait3A_40 : memref<128x128xf32, #tpu.memory_space<vmem>>)
    %dma_wait3A_46 = arith.constant 1 : i32
    %dma_wait3A_47 = arith.constant 0 : i32
    %dma_wait3A_48 = arith.constant 128 : i32
    %dma_wait3A_49 = tpu.memref_slice %arg12[%dma_wait3A_46, %dma_wait3A_47, %dma_wait3A_48] : memref<2x128x384xf32, #tpu.memory_space<vmem>> -> memref<1x128x128xf32, #tpu.memory_space<vmem>>
    %dma_wait3A_50 = tpu.memref_squeeze %dma_wait3A_49 : memref<1x128x128xf32, #tpu.memory_space<vmem>> -> memref<128x128xf32, #tpu.memory_space<vmem>>
    %dma_wait3A_51 = arith.constant 0 : i32
    %dma_wait3A_52 = tpu.memref_slice %arg10[%dma_wait3A_51] : memref<8192xi32, #tpu.memory_space<vmem>> -> memref<128xi32, #tpu.memory_space<vmem>>
    %dma_wait3A_53 = arith.constant 0 : i32
    %dma_wait3A_54 = arith.constant 0 : i32
    %dma_wait3A_55 = tpu.memref_slice %arg6[%dma_wait3A_53, %dma_wait3A_54] : memref<1024x128xf32, #tpu.memory_space<hbm>> -> memref<1024x128xf32, #tpu.memory_space<hbm>>
    tpu.wait_indirect_dma semaphore(%arg14 : memref<!tpu.dma_semaphore, #tpu.memory_space<semaphore_mem>>) src(%dma_wait3A_55 : memref<1024x128xf32, #tpu.memory_space<hbm>>) dst(%dma_wait3A_50 : memref<128x128xf32, #tpu.memory_space<vmem>>)
    %dma_wait3A_56 = arith.constant 1 : i32
    %dma_wait3A_57 = arith.constant 0 : i32
    %dma_wait3A_58 = arith.constant 256 : i32
    %dma_wait3A_59 = tpu.memref_slice %arg12[%dma_wait3A_56, %dma_wait3A_57, %dma_wait3A_58] : memref<2x128x384xf32, #tpu.memory_space<vmem>> -> memref<1x128x128xf32, #tpu.memory_space<vmem>>
    %dma_wait3A_60 = tpu.memref_squeeze %dma_wait3A_59 : memref<1x128x128xf32, #tpu.memory_space<vmem>> -> memref<128x128xf32, #tpu.memory_space<vmem>>
    %dma_wait3A_61 = arith.constant 0 : i32
    %dma_wait3A_62 = tpu.memref_slice %arg11[%dma_wait3A_61] : memref<8192xi32, #tpu.memory_space<vmem>> -> memref<128xi32, #tpu.memory_space<vmem>>
    %dma_wait3A_63 = arith.constant 0 : i32
    %dma_wait3A_64 = arith.constant 0 : i32
    %dma_wait3A_65 = tpu.memref_slice %arg7[%dma_wait3A_63, %dma_wait3A_64] : memref<1024x128xf32, #tpu.memory_space<hbm>> -> memref<1024x128xf32, #tpu.memory_space<hbm>>
    tpu.wait_indirect_dma semaphore(%arg14 : memref<!tpu.dma_semaphore, #tpu.memory_space<semaphore_mem>>) src(%dma_wait3A_65 : memref<1024x128xf32, #tpu.memory_space<hbm>>) dst(%dma_wait3A_60 : memref<128x128xf32, #tpu.memory_space<vmem>>)
    %add3A_66 = arith.constant 8064 : i32
    %add3A_67 = arith.addi %mul3A_2, %add3A_66 : i32
    %dma_start3A_68 = arith.constant 1 : i32
    %dma_start3A_69 = arith.constant 0 : i32
    %dma_start3A_70 = arith.constant 0 : i32
    %dma_start3A_71 = tpu.memref_slice %arg12[%dma_start3A_68, %dma_start3A_69, %dma_start3A_70] : memref<2x128x384xf32, #tpu.memory_space<vmem>> -> memref<1x128x384xf32, #tpu.memory_space<vmem>>
    %dma_start3A_72 = tpu.memref_squeeze %dma_start3A_71 : memref<1x128x384xf32, #tpu.memory_space<vmem>> -> memref<128x384xf32, #tpu.memory_space<vmem>>
    %dma_start3A_73 = arith.constant 0 : i32
    %dma_start3A_74 = tpu.memref_slice %arg8[%add3A_67, %dma_start3A_73] : memref<262144x384xf32, #tpu.memory_space<hbm>> -> memref<128x384xf32, #tpu.memory_space<hbm>>
    %dma_start3A_75 = arith.constant 0 : i32
    %dma_start3A_76 = tpu.memref_slice %arg8[%add3A_67, %dma_start3A_75] : memref<262144x384xf32, #tpu.memory_space<hbm>> -> memref<128x384xf32, #tpu.memory_space<hbm>>
    %dma_start3A_77 = arith.constant 0 : i32
    %dma_start3A_78 = arith.constant 0 : i32
    %dma_start3A_79 = tpu.memref_slice %arg12[%dma_start3A_68, %dma_start3A_77, %dma_start3A_78] : memref<2x128x384xf32, #tpu.memory_space<vmem>> -> memref<1x128x384xf32, #tpu.memory_space<vmem>>
    %dma_start3A_80 = tpu.memref_squeeze %dma_start3A_79 : memref<1x128x384xf32, #tpu.memory_space<vmem>> -> memref<128x384xf32, #tpu.memory_space<vmem>>
    tpu.enqueue_dma source(%dma_start3A_80 : memref<128x384xf32, #tpu.memory_space<vmem>>) target(%dma_start3A_76 : memref<128x384xf32, #tpu.memory_space<hbm>>) target_semaphore(%arg16 : memref<!tpu.dma_semaphore, #tpu.memory_space<semaphore_mem>>)
    %dma_wait3A_81 = arith.constant 0 : i32
    %dma_wait3A_82 = arith.constant 0 : i32
    %dma_wait3A_83 = arith.constant 0 : i32
    %dma_wait3A_84 = tpu.memref_slice %arg12[%dma_wait3A_81, %dma_wait3A_82, %dma_wait3A_83] : memref<2x128x384xf32, #tpu.memory_space<vmem>> -> memref<1x128x384xf32, #tpu.memory_space<vmem>>
    %dma_wait3A_85 = tpu.memref_squeeze %dma_wait3A_84 : memref<1x128x384xf32, #tpu.memory_space<vmem>> -> memref<128x384xf32, #tpu.memory_space<vmem>>
    %dma_wait3A_86 = arith.constant 0 : i32
    %dma_wait3A_87 = tpu.memref_slice %arg8[%mul3A_2, %dma_wait3A_86] : memref<262144x384xf32, #tpu.memory_space<hbm>> -> memref<128x384xf32, #tpu.memory_space<hbm>>
    %dma_wait3A_88 = arith.constant 0 : i32
    %dma_wait3A_89 = tpu.memref_slice %arg8[%mul3A_2, %dma_wait3A_88] : memref<262144x384xf32, #tpu.memory_space<hbm>> -> memref<128x384xf32, #tpu.memory_space<hbm>>
    %dma_wait3A_90 = arith.constant 0 : i32
    %dma_wait3A_91 = arith.constant 0 : i32
    %dma_wait3A_92 = tpu.memref_slice %arg12[%dma_wait3A_81, %dma_wait3A_90, %dma_wait3A_91] : memref<2x128x384xf32, #tpu.memory_space<vmem>> -> memref<1x128x384xf32, #tpu.memory_space<vmem>>
    %dma_wait3A_93 = tpu.memref_squeeze %dma_wait3A_92 : memref<1x128x384xf32, #tpu.memory_space<vmem>> -> memref<128x384xf32, #tpu.memory_space<vmem>>
    tpu.wait_dma2 semaphore(%arg15 : memref<!tpu.dma_semaphore, #tpu.memory_space<semaphore_mem>>) src(%dma_wait3A_93 : memref<128x384xf32, #tpu.memory_space<vmem>>) dst(%dma_wait3A_89 : memref<128x384xf32, #tpu.memory_space<hbm>>)
    %dma_wait3A_94 = arith.constant 1 : i32
    %dma_wait3A_95 = arith.constant 0 : i32
    %dma_wait3A_96 = arith.constant 0 : i32
    %dma_wait3A_97 = tpu.memref_slice %arg12[%dma_wait3A_94, %dma_wait3A_95, %dma_wait3A_96] : memref<2x128x384xf32, #tpu.memory_space<vmem>> -> memref<1x128x384xf32, #tpu.memory_space<vmem>>
    %dma_wait3A_98 = tpu.memref_squeeze %dma_wait3A_97 : memref<1x128x384xf32, #tpu.memory_space<vmem>> -> memref<128x384xf32, #tpu.memory_space<vmem>>
    %dma_wait3A_99 = arith.constant 0 : i32
    %dma_wait3A_100 = tpu.memref_slice %arg8[%mul3A_2, %dma_wait3A_99] : memref<262144x384xf32, #tpu.memory_space<hbm>> -> memref<128x384xf32, #tpu.memory_space<hbm>>
    %dma_wait3A_101 = arith.constant 0 : i32
    %dma_wait3A_102 = tpu.memref_slice %arg8[%mul3A_2, %dma_wait3A_101] : memref<262144x384xf32, #tpu.memory_space<hbm>> -> memref<128x384xf32, #tpu.memory_space<hbm>>
    %dma_wait3A_103 = arith.constant 0 : i32
    %dma_wait3A_104 = arith.constant 0 : i32
    %dma_wait3A_105 = tpu.memref_slice %arg12[%dma_wait3A_94, %dma_wait3A_103, %dma_wait3A_104] : memref<2x128x384xf32, #tpu.memory_space<vmem>> -> memref<1x128x384xf32, #tpu.memory_space<vmem>>
    %dma_wait3A_106 = tpu.memref_squeeze %dma_wait3A_105 : memref<1x128x384xf32, #tpu.memory_space<vmem>> -> memref<128x384xf32, #tpu.memory_space<vmem>>
    tpu.wait_dma2 semaphore(%arg16 : memref<!tpu.dma_semaphore, #tpu.memory_space<semaphore_mem>>) src(%dma_wait3A_106 : memref<128x384xf32, #tpu.memory_space<vmem>>) dst(%dma_wait3A_102 : memref<128x384xf32, #tpu.memory_space<hbm>>)
    return
  }
}

</mosaic_0001>

<sc_bundles>
// kernel: kernel.3.cloned.1.call-start
scs
__scs_entry_jumppad:
0x0: {  	(pc) =	sbr.rel $0x88, $3  }
0x1: {  	(tag) =	ssettag $0x0;
	lr =	simm.s32 $0x1  }
0x2: {  	[smem:$0x3F9D] =	sst lr;
	_ =	strace $0xD0000000  }
0x3: {  	_ = 	snop  }
0x4: {  	_ = 	snop  }
0x5: {  	_ = 	snop  }
0x6: {  	_ = 	snop  }
0x7: {  	_ = 	snop  }
__scs_overlays_trampoline_lowered:
0x8: {  	[smem:$0x3FAC] =	sst s0  }
0x9: {  	[smem:$0x3FAD] =	sst s1  }
0xa: {  	[smem:$0x3FAE] =	sst s2  }
0xb: {  	[smem:$0x3FAF] =	sst s3  }
0xc: {  	[smem:$0x3FB0] =	sst s4  }
0xd: {  	[smem:$0x3FB1] =	sst s5  }
0xe: {  	[smem:$0x3FB2] =	sst s6  }
0xf: {  	[smem:$0x3FB3] =	sst s7  }
0x10: {  	[smem:$0x3FB4] =	sst s8  }
0x11: {  	[smem:$0x3FB5] =	sst s9;
	s0 =	simm.s32 @!p0 $0x0  }
0x12: {  	s1 =	sld [smem:$0x3F9B];
	s0 =	simm.s32 @p0 $0x1  }
0x13: {  	[smem:$0x3FB6] =	sst s0;
	s0 =	simm.s32 @!p1 $0x0  }
0x14: {  	s2 =	sld [smem:$0x3F9A];
	s0 =	simm.s32 @p1 $0x1  }
0x15: {  	[smem:$0x3FB7] =	sst s0;
	s0 =	simm.s32 @!p2 $0x0  }
0x16: {  	s3 =	sld [smem:$0x3FDB];
	s0 =	simm.s32 @p2 $0x1  }
0x17: {  	s4 =	simm.s32 $0x1BF5;
	[smem:$0x3FB9] =	sst s0  }
0x18: {  	s0 =	sld [smem:$0x3F9C];
	_ =	swait.ge [sflag:s4], $0x0  }
0x19: {  	s7 =	sld [smem:$0x3F9D]  }
0x1a: {  	s8 =	sadd.s32 $0xFFFFE003, lr  }
0x1b: {  	s9 =	sadd.s32 $0xFFFFFEF7, lr;
	s5 =	simm.s32 $0xFFFFFFFF;
	p2 =	slt.u32 s8, $0xFFFFF086  }
0x1c: {  	p1 =	slt.u32 s9, $0xF7A;
	s5 =	simm.s32 @!p2 $0x0  }
0x1d: {  	s5 =	simm.s32 @p1 $0x1;
	p0 =	seq.s32 s7, s2  }
0x1e: {  	s7 =	smul.u32 @!p0 $0xF7A, s2;
	p2 =	seq.s32 @!p0 s5, $0x0  }
0x1f: {  	s9 =	smul.u32 $0xF7A, s1;
	s8 =	simm.s32 @!p0 $0x1BF5;
	p2 =	por !p2, p0  }
0x20: {  	[sflag:s8] =	ssyncset.s32 @!p0 $0xFFFFF086;
	s6 =	sadd.s32 @!p0 s3, s7;
	s7 =	simm.s32 @!p0 $0x108  }
0x21: {  	s3 =	sadd.s32 s3, s9;
	s6 =	sadd.s32 @!p0 $0x88, s6;
	s7 =	simm.s32 @p2 $0x1082  }
0x22: {  	[simem:s7], [sflag:s8] =	dma.local @!p0 [hbm:s6], $0xF7A  }
0x23: {  	s9 =	sor.u32 $0xD0000000, s2;
	s6 =	simm.s32 $0x108;
	_ =	swait.ge @!p0 [sflag:s8], $0x0  }
0x24: {  	s3 =	sadd.s32 $0x88, s3;
	s6 =	simm.s32 @!p1 $0x1082;
	[sflag:s4] =	ssyncset.s32 $0xFFFFF086  }
0x25: {  	[simem:s6], [sflag:s4] =	dma.local [hbm:s3], $0xF7A  }
0x26: {  	[smem:$0x3F9D] =	sst s1;
	(tag) =	ssettag s2;
	_ =	strace s9  }
0x27: {  	s1 =	sld [smem:$0x3FAD]  }
0x28: {  	s2 =	sld [smem:$0x3FAE]  }
0x29: {  	s4 =	sld [smem:$0x3FB0]  }
0x2a: {  	p0 =	seq.s32 s5, $0x0;
	s5 =	sld [smem:$0x3FB1]  }
0x2b: {  	s6 =	sld [smem:$0x3FB2]  }
0x2c: {  	s7 =	sld [smem:$0x3FB3]  }
0x2d: {  	s3 =	simm.s32 $0x108;
	s8 =	sld [smem:$0x3FB4]  }
0x2e: {  	s3 =	simm.s32 @!p0 $0x1082;
	s9 =	sld [smem:$0x3FB5]  }
0x2f: {  	lr =	sadd.s32 s0, s3;
	s0 =	sld [smem:$0x3FAC]  }
0x30: {  	s3 =	sld [smem:$0x3FAF]  }
0x31: {  	[smem:$0x3FB8] =	sst s10  }
0x32: {  	s10 =	sld [smem:$0x3FB6];
	_ =	sdelay $0x3  }
0x33: {  	p0 =	seq.s32 s10, $0x1;
	s10 =	sld [smem:$0x3FB8];
	_ =	sdelay $0x3  }
0x34: {  	[smem:$0x3FB8] =	sst s10  }
0x35: {  	s10 =	sld [smem:$0x3FB7];
	_ =	sdelay $0x3  }
0x36: {  	p1 =	seq.s32 s10, $0x1;
	s10 =	sld [smem:$0x3FB8];
	_ =	sdelay $0x3  }
0x37: {  	[smem:$0x3FB8] =	sst s10  }
0x38: {  	s10 =	sld [smem:$0x3FB9]  }
0x39: {  	_ = 	snop;
	(pc) =	sbr.ind lr, $3  }
0x3a: {  	_ = 	snop  }
0x3b: {  	_ = 	snop  }
0x3c: {  	p2 =	seq.s32 s10, $0x1;
	s10 =	sld [smem:$0x3FB8]  }
0x3d: {  	_ =	shalt  }
0x3e: {  	_ =	shalt  }
0x3f: {  	_ =	shalt  }
0x40: {  	_ =	shalt  }
0x41: {  	_ =	shalt  }
0x42: {  	_ =	shalt  }
0x43: {  	_ =	shalt  }
0x44: {  	_ =	shalt  }
0x45: {  	_ =	shalt  }
0x46: {  	_ =	shalt  }
0x47: {  	_ =	shalt  }
0x48: {  	_ =	shalt  }
0x49: {  	_ =	shalt  }
0x4a: {  	_ =	shalt  }
0x4b: {  	_ =	shalt  }
0x4c: {  	_ =	shalt  }
0x4d: {  	_ =	shalt  }
0x4e: {  	_ =	shalt  }
0x4f: {  	_ =	shalt  }
0x50: {  	_ =	shalt  }
0x51: {  	_ =	shalt  }
0x52: {  	_ =	shalt  }
0x53: {  	_ =	shalt  }
0x54: {  	_ =	shalt  }
0x55: {  	_ =	shalt  }
0x56: {  	_ =	shalt  }
0x57: {  	_ =	shalt  }
0x58: {  	_ =	shalt  }
0x59: {  	_ =	shalt  }
0x5a: {  	_ =	shalt  }
0x5b: {  	_ =	shalt  }
0x5c: {  	_ =	shalt  }
0x5d: {  	_ =	shalt  }
0x5e: {  	_ =	shalt  }
0x5f: {  	_ =	shalt  }
0x60: {  	_ =	shalt  }
0x61: {  	_ =	shalt  }
0x62: {  	_ =	shalt  }
0x63: {  	_ =	shalt  }
0x64: {  	_ =	shalt  }
0x65: {  	_ =	shalt  }
0x66: {  	_ =	shalt  }
0x67: {  	_ =	shalt  }
0x68: {  	_ =	shalt  }
0x69: {  	_ =	shalt  }
0x6a: {  	_ =	shalt  }
0x6b: {  	_ =	shalt  }
0x6c: {  	_ =	shalt  }
0x6d: {  	_ =	shalt  }
0x6e: {  	_ =	shalt  }
0x6f: {  	_ =	shalt  }
0x70: {  	_ =	shalt  }
0x71: {  	_ =	shalt  }
0x72: {  	_ =	shalt  }
0x73: {  	_ =	shalt  }
0x74: {  	_ =	shalt  }
0x75: {  	_ =	shalt  }
0x76: {  	_ =	shalt  }
0x77: {  	_ =	shalt  }
0x78: {  	_ =	shalt  }
0x79: {  	_ =	shalt  }
0x7a: {  	_ =	shalt  }
0x7b: {  	_ =	shalt  }
0x7c: {  	_ =	shalt  }
0x7d: {  	_ =	shalt  }
0x7e: {  	_ =	shalt  }
0x7f: {  	_ =	shalt  }
0x80: {  	_ =	shalt  }
0x81: {  	_ =	shalt  }
0x82: {  	_ =	shalt  }
0x83: {  	_ =	shalt  }
0x84: {  	_ =	shalt  }
0x85: {  	_ =	shalt  }
0x86: {  	_ =	shalt  }
0x87: {  	_ =	shalt  }
.Lfunc_end0:
.L_simem_size_0:
called_computation_lowered:
.L_overlay_start_0:
0x88: {  	s2 =	sld [smem:$0x3FD9]  }
0x89: {  	s3 =	sld [smem:$0x3FFE];
	_ =	sdelay $0x1  }
0x8a: {  	s1 =	srdreg.scid  }
0x8b: {  	s0 =	sand.u32 $0x1, s1  }
0x8c: {  	s17 =	sshll.u32 s0, $0xA;
	s2 =	sadd.s32 s3, s2  }
0x8d: {  	s2 =	sadd.s32 s2, s17  }
0x8e: {  	[smem:$0x3FC4] =	sst s2  }
0x8f: {  	_ = 	snop  }
0x90: {  	s2 =	sld [smem:$0x3FC8]  }
0x91: {  	s18 =	sld [smem:$0x3FC7]  }
0x92: {  	s4 =	sld [smem:$0x3FC6]  }
0x93: {  	s5 =	sld [smem:$0x3FD0];
	(tm) =	ssettm $0x1  }
0x94: {  	s6 =	sld [smem:$0x3FFB];
	_ =	sdelay $0x3  }
0x95: {  	_ =	strace s6  }
0x96: {  	s6 =	sld [smem:$0x3FFC];
	_ =	sdelay $0x3  }
0x97: {  	_ =	strace s6  }
0x98: {  	s6 =	sld [smem:$0x3FFD];
	_ =	sdelay $0x3  }
0x99: {  	_ =	strace s6  }
0x9a: {  	_ =	strace $0x8FFFFFFF  }
0x9b: {  	s19 =	sld [smem:$0x3FDB];
	_ =	sdelay $0x1  }
0x9c: {  	s7 =	simm.s32 $_scs_section_size  }
0x9d: {  	s8 =	simm.s32 $_size__tile_overlayer_lowered;
	s9 =	simm.s32 $_tile_overlayer_lowered  }
0x9e: {  	s22 =	simm.s32 $0x1BFF;
	s21 =	sshll.u32 s9, $0x1;
	s6 =	sadd.s32 s7, s19  }
0x9f: {  	s10 =	simm.s32 $0x0;
	s20 =	sshll.u32 s8, $0x1;
	s8 =	sadd.s32 s21, s6  }
0xa0: {  	[timem:s10], [sflag:s22] =	dma.local [hbm:s8], s20  }
0xa1: {  	_ =	swait.ge [sflag:s22], s20  }
0xa2: {  	s7 =	ssub.s32 $0x0, s20;
	[sflag:s22] =	ssyncset.done $0x0  }
0xa3: {  	[sflag:s22] =	ssyncadd.s32 s7;
	_ =	sdelay $0x1  }
0xa4: {  	s23 =	simm.s32 $0x1B8B  }
0xa5: {  	_ =	swait.ge [sflag:s23], $0x1  }
0xa6: {  	[sflag:s23] =	ssyncset.done $0x0  }
0xa7: {  	s25 =	simm.s32 $0x1B8E;
	s24 =	sld [smem:$0x3FFE];
	[sflag:s23] =	ssyncadd.s32 $0xFFFFFFFF  }
0xa8: {  	s26 =	simm.s32 $execute0_lowered;
	[smem:$0x3FD2] =	sst s25  }
0xa9: {  	s8 =	sshll.u32 s26, $0x1;
	_ =	strace $0x80000046;
	[dreg:$0x1] =	wrdreg $0xFFFFFFFF  }
0xaa: {  	s28 =	simm.s32 $_size_execute0_lowered;
	s6 =	sadd.s32 s6, s8;
	[dreg:$0x0] =	wrdreg $0x0  }
0xab: {  	s8 =	sshll.u32 s28, $0x1;
	[dreg:$0x2] =	wrdreg s6  }
0xac: {  	[dreg:$0x3] =	wrdreg s8  }
0xad: {  	[dreg:$0x4] =	wrdreg $0xC0  }
0xae: {  	_ =	task [dreg:s10], $0x5FFFF  }
0xaf: {  	[dreg:$0x1] =	wrdreg $0xFFFFFFFF  }
0xb0: {  	[dreg:$0x0] =	wrdreg $0x60  }
0xb1: {  	[dreg:$0x2] =	wrdreg s24  }
0xb2: {  	[dreg:$0x3] =	wrdreg s2  }
0xb3: {  	[dreg:$0x4] =	wrdreg s18  }
0xb4: {  	[dreg:$0x5] =	wrdreg s4  }
0xb5: {  	[dreg:$0x6] =	wrdreg s5  }
0xb6: {  	[dreg:$0x7] =	wrdreg $0x9  }
0xb7: {  	_ =	task.clear_ibuf [dreg:s10], $0x8FFFF;
	_ =	strace $0x90000046  }
0xb8: {  	s29 =	simm.s32 $0x9;
	_ =	strace $0x80000048  }
0xb9: {  	_ =	swait.ge [sflag:s29], $0x1  }
0xba: {  	[sflag:s29] =	ssyncadd.s32 $0xFFFFFFFF  }
0xbb: {  	_ =	strace $0x90000048  }
0xbc: {  	_ =	sfence  }
0xbd: {  	s30 =	sld [smem:$0x0];
	_ =	sdelay $0x2  }
0xbe: {  	s31 =	sshll.u32 s1, $0xD;
	s1 =	sshrl.u32 s1, $0x2  }
0xbf: {  	s3 =	sand.u32 $0x4000, s31;
	s1 =	sadd.s32 s1, s30  }
0xc0: {  	s0 =	sor.u32 s3, s0;
	s1 =	sshll.u32 s1, $0x11  }
0xc1: {  	s0 =	sor.u32 s1, s0  }
0xc2: {  	s0 =	sadd.s32 $0x8F2B, s0  }
0xc3: {  	[sflag:s0] =	ssyncadd.remote.s32 $0x1  }
0xc4: {  	_ =	sfence.sel $0xFFFF  }
0xc5: {  	[dreg:$0x0] =	wrdreg $0xFFFFFFFF;
	(pc) =	sbr.abs _section_cstart, $3  }
0xc6: {  	[dreg:$0x1] =	wrdreg $0xFFFFFFFF  }
0xc7: {  	_ =	task.clear_ibuf [dreg:s10], $0x2FFFF;
	_ =	strace $0x9FFFFFFF  }
0xc8: {  	(tm) =	ssettm $0x7FFFFFFF  }
0xc9: {  	_ =	shalt  }
tec
execute0_lowered:
.L_overlay_start_1:
0x0: {  	(tag) =	ssettag $0x1  }
0x1: {  	s0 =	rddreg [dreg:$0x0]  }
0x2: {  	s1 =	rddreg [dreg:$0x1]  }
0x3: {  	s3 =	srdreg.scid;
	s2 =	rddreg [dreg:$0x2]  }
0x4: {  	s5 =	stileid.u32;
	s4 =	rddreg [dreg:$0x3];
	s17 =	simm.s32 $0x6000  }
0x5: {  	s19 =	simm.s32 $0x12000;
	s15 =	simm.s32 $0x15800;
	s16 =	simm.s32 $0x16400  }
0x6: {  	s11 =	simm.s32 $0x19400;
	s12 =	simm.s32 $0x1A000;
	s14 =	simm.s32 $0x1AC00  }
0x7: {  	s18 =	simm.s32 $0x1B800;
	s20 =	simm.s32 $0x1C400;
	s21 =	simm.s32 $0x1D000  }
0x8: {  	s22 =	simm.s32 $0x1DC00;
	s23 =	simm.s32 $0x1;
	s24 =	simm.s32 $0x2  }
0x9: {  	s29 =	simm.s32 $0x0;
	s3 =	sand.u32 $0x1, s3;
	s6 =	sshll.u32 s5, $0xE  }
0xa: {  	s5 =	rddreg [dreg:$0x4];
	s7 =	sshll.u32 s3, $0xD;
	s3 =	ssub.s32 $0x2, s3  }
0xb: {  	s6 =	sor.u32 s7, s6;
	s7 =	simm.s32 $0x0;
	s10 =	sshrl.u32 s3, $0x1  }
0xc: {  	s8 =	sshrl.u32 s6, $0x3;
	[smem:$0x7FF] =	sst s7;
	s3 =	ssub.s32 s3, s10  }
0xd: {  	s13 =	sadd.s32 $0xFFFFFF80, s6;
	s10 =	simm.s32 $0x18800;
	s9 =	smul.u32 $0xC00, s8  }
0xe: {  	_ =	strace $0x80000047;
	s0 =	sadd.s32 s8, s0;
	s31 =	smax.u32 s3, $0x1  }
0xf: {  	s3 =	simm.s32 $0x14000;
	s26 =	sadd.s32 $0x10600, s0;
	[dreg:$0xa] =	wrdreg s31  }
.Ltmp0:
0x10: {  	s28 =	sadd.s32 $0x8600, s0;
	[dreg:$0x6] =	wrdreg s26;
	(pc) =	sbr.rel .LBB2_1-.Ltmp0, $4  }
0x11: {  	s0 =	sadd.s32 $0x600, s0;
	s25 =	sshrl.u32 s9, $0x3;
	[dreg:$0x7] =	wrdreg s28  }
0x12: {  	v2 =	vlaneseq.u32;
	[dreg:$0x8] =	wrdreg s0;
	s0 =	simm.s32 $0x14C00;
	s8 =	sadd.s32 s5, s25  }
0x13: {  	vm0 =	vmmov $0xff;
	v1 =	vshrl.u32 v2, $0x3;
	s9 =	simm.s32 $0x17C00;
	s26 =	simm.s32 $0x4;
	s30 =	sadd.s32 $0x5E800, s8  }
0x14: {  	v0 =	vand.u32 $0x7, v2;
	v2 =	vor.u32 $0x8, v2;
	v1 =	vmul.u32 $0x8, v1;
	s25 =	simm.s32 $0x3;
	s8 =	simm.s32 $0x17000;
	[dreg:$0x9] =	wrdreg s30  }
.LBB2_6:
0x15: {  	_ =	swait.ge [sflag:s24], $0x4000  }
0x16: {  	[sflag:s24] =	ssyncset.done $0x0  }
0x17: {  	[sflag:s24] =	ssyncadd.s32 $0xFFFFC000  }
0x18: {  	_ =	swait.ge [sflag:s24], $0x4000  }
0x19: {  	[sflag:s24] =	ssyncset.done $0x0  }
0x1a: {  	[sflag:s24] =	ssyncadd.s32 $0xFFFFC000  }
0x1b: {  	_ =	swait.ge [sflag:s24], $0x4000  }
0x1c: {  	[sflag:s24] =	ssyncset.done $0x0  }
0x1d: {  	s28 =	rddreg [dreg:$0x9];
	[sflag:s24] =	ssyncadd.s32 $0xFFFFC000  }
0x1e: {  	[hbm4b:s28+s7] =	stream.linear.scatter [tilespmem:s19], [sflag:$0x4], $0xC000, $0x38;
	[tilespmem:$0x1E000] =	vst v63  }
0x1f: {  	_ =	swait.ge [sflag:s25], $0xC000  }
0x20: {  	[sflag:s25] =	ssyncset.done $0x0  }
0x21: {  	[sflag:s25] =	ssyncadd.s32 $0xFFFF4000  }
0x22: {  	_ =	swait.ge [sflag:s26], $0xC000  }
0x23: {  	s29 =	rddreg [dreg:$0xb]  }
0x24: {  	s31 =	rddreg [dreg:$0xa];
	s29 =	sadd.s32 $0x1, s29  }
0x25: {  	p0 =	sne.s32 s29, s31  }
.Ltmp1:
0x26: {  	_ = 	snop;
	(pc) =	sbr.rel @!p0 .LBB2_7-.Ltmp1, $3  }
0x27: {  	_ =	sdelay $0x1  }
0x28: {  	[sflag:s26] =	ssyncset.done $0x0  }
0x29: {  	[sflag:s26] =	ssyncadd.s32 $0xFFFF4000  }
.LBB2_1:
0x2a: {  	[dreg:$0xb] =	wrdreg s29  }
0x2b: {  	s28 =	rddreg [dreg:$0x6];
	s31 =	simm.s32 $0x5  }
0x2c: {  	[tilespmem:s7], [sflag:$0x5] =	stream.linear.gather [hbm4b:s28+s7], $0x2000, $0x38;
	[tilespmem:$0x1E000] =	vst v63  }
0x2d: {  	_ =	swait.ge [sflag:s31], $0x2000  }
0x2e: {  	[sflag:s31] =	ssyncset.done $0x0  }
0x2f: {  	s30 =	simm.s32 $0x2000;
	s28 =	rddreg [dreg:$0x7];
	[sflag:s31] =	ssyncadd.s32 $0xFFFFE000  }
0x30: {  	[tilespmem:s30], [sflag:$0x5] =	stream.linear.gather [hbm4b:s28+s7], $0x2000, $0x38;
	[tilespmem:$0x1E000] =	vst v63  }
0x31: {  	_ =	swait.ge [sflag:s31], $0x2000  }
0x32: {  	[sflag:s31] =	ssyncset.done $0x0  }
0x33: {  	s30 =	simm.s32 $0x4000;
	s28 =	rddreg [dreg:$0x8];
	[sflag:s31] =	ssyncadd.s32 $0xFFFFE000  }
0x34: {  	[tilespmem:s30], [sflag:$0x5] =	stream.linear.gather [hbm4b:s28+s7], $0x2000, $0x38;
	[tilespmem:$0x1E000] =	vst v63  }
0x35: {  	_ =	swait.ge [sflag:s31], $0x2000  }
0x36: {  	[sflag:s31] =	ssyncset.done $0x0  }
0x37: {  	[sflag:s31] =	ssyncadd.s32 $0xFFFFE000  }
0x38: {  	v3 =	vld [tilespmem:$0x0];
	_ =	sdelay $0x4  }
0x39: {  	v4 =	vperm.xlane v3, v0;
	_ =	sdelay $0x1  }
0x3a: {  	v3 =	vperm.xlane v3, v2;
	v4 =	vadd.s32 v1, v4;
	_ =	sdelay $0x1  }
0x3b: {  	v3 =	vadd.s32 v1, v3;
	_ =	sdelay $0x2  }
0x3c: {  	[tilespmem:s17], [sflag:$0x1] =	stream.indirect_vreg.gather [hbm4b:s1+s7], $0x80, v4, vm0, $0xb8;
	[tilespmem:$0x1E000] =	vst v63  }
0x3d: {  	s28 =	simm.s32 $0x6C00  }
0x3e: {  	[tilespmem:s28], [sflag:$0x1] =	stream.indirect_vreg.gather [hbm4b:s1+s7], $0x80, v3, vm0, $0xb8;
	[tilespmem:$0x1E000] =	vst v63  }
0x3f: {  	v3 =	vld [tilespmem:$0x10];
	_ =	sdelay $0x4  }
0x40: {  	v41 =	vperm.xlane v3, v0;
	_ =	sdelay $0x1  }
0x41: {  	v3 =	vperm.xlane v3, v2;
	v4 =	vadd.s32 v1, v41;
	_ =	sdelay $0x1  }
0x42: {  	v3 =	vadd.s32 v1, v3;
	_ =	sdelay $0x1  }
0x43: {  	s28 =	simm.s32 $0x7800  }
0x44: {  	[tilespmem:s28], [sflag:$0x1] =	stream.indirect_vreg.gather [hbm4b:s1+s7], $0x80, v4, vm0, $0xb8;
	[tilespmem:$0x1E000] =	vst v63  }
0x45: {  	s28 =	simm.s32 $0x8400  }
0x46: {  	[tilespmem:s28], [sflag:$0x1] =	stream.indirect_vreg.gather [hbm4b:s1+s7], $0x80, v3, vm0, $0xb8;
	[tilespmem:$0x1E000] =	vst v63  }
0x47: {  	v3 =	vld [tilespmem:$0x20];
	_ =	sdelay $0x4  }
0x48: {  	v42 =	vperm.xlane v3, v0;
	_ =	sdelay $0x1  }
0x49: {  	v3 =	vperm.xlane v3, v2;
	v4 =	vadd.s32 v1, v42;
	_ =	sdelay $0x1  }
0x4a: {  	v3 =	vadd.s32 v1, v3;
	_ =	sdelay $0x1  }
0x4b: {  	s28 =	simm.s32 $0x9000  }
0x4c: {  	[tilespmem:s28], [sflag:$0x1] =	stream.indirect_vreg.gather [hbm4b:s1+s7], $0x80, v4, vm0, $0xb8;
	[tilespmem:$0x1E000] =	vst v63  }
0x4d: {  	s28 =	simm.s32 $0x9C00  }
0x4e: {  	[tilespmem:s28], [sflag:$0x1] =	stream.indirect_vreg.gather [hbm4b:s1+s7], $0x80, v3, vm0, $0xb8;
	[tilespmem:$0x1E000] =	vst v63  }
0x4f: {  	v3 =	vld [tilespmem:$0x30];
	_ =	sdelay $0x4  }
0x50: {  	v43 =	vperm.xlane v3, v0;
	_ =	sdelay $0x1  }
0x51: {  	v3 =	vperm.xlane v3, v2;
	v4 =	vadd.s32 v1, v43;
	_ =	sdelay $0x1  }
0x52: {  	v3 =	vadd.s32 v1, v3;
	_ =	sdelay $0x1  }
0x53: {  	s28 =	simm.s32 $0xA800  }
0x54: {  	[tilespmem:s28], [sflag:$0x1] =	stream.indirect_vreg.gather [hbm4b:s1+s7], $0x80, v4, vm0, $0xb8;
	[tilespmem:$0x1E000] =	vst v63  }
0x55: {  	s28 =	simm.s32 $0xB400  }
0x56: {  	[tilespmem:s28], [sflag:$0x1] =	stream.indirect_vreg.gather [hbm4b:s1+s7], $0x80, v3, vm0, $0xb8;
	[tilespmem:$0x1E000] =	vst v63  }
0x57: {  	v3 =	vld [tilespmem:$0x40];
	_ =	sdelay $0x4  }
0x58: {  	v44 =	vperm.xlane v3, v0;
	_ =	sdelay $0x1  }
0x59: {  	v3 =	vperm.xlane v3, v2;
	v4 =	vadd.s32 v1, v44;
	_ =	sdelay $0x1  }
0x5a: {  	v3 =	vadd.s32 v1, v3;
	_ =	sdelay $0x1  }
0x5b: {  	s28 =	simm.s32 $0xC000  }
0x5c: {  	[tilespmem:s28], [sflag:$0x1] =	stream.indirect_vreg.gather [hbm4b:s1+s7], $0x80, v4, vm0, $0xb8;
	[tilespmem:$0x1E000] =	vst v63  }
0x5d: {  	s28 =	simm.s32 $0xCC00  }
0x5e: {  	[tilespmem:s28], [sflag:$0x1] =	stream.indirect_vreg.gather [hbm4b:s1+s7], $0x80, v3, vm0, $0xb8;
	[tilespmem:$0x1E000] =	vst v63  }
0x5f: {  	v3 =	vld [tilespmem:$0x50];
	_ =	sdelay $0x4  }
0x60: {  	v45 =	vperm.xlane v3, v0;
	_ =	sdelay $0x1  }
0x61: {  	v3 =	vperm.xlane v3, v2;
	v4 =	vadd.s32 v1, v45;
	_ =	sdelay $0x1  }
0x62: {  	v3 =	vadd.s32 v1, v3;
	_ =	sdelay $0x1  }
0x63: {  	s28 =	simm.s32 $0xD800  }
0x64: {  	[tilespmem:s28], [sflag:$0x1] =	stream.indirect_vreg.gather [hbm4b:s1+s7], $0x80, v4, vm0, $0xb8;
	[tilespmem:$0x1E000] =	vst v63  }
0x65: {  	s28 =	simm.s32 $0xE400  }
0x66: {  	[tilespmem:s28], [sflag:$0x1] =	stream.indirect_vreg.gather [hbm4b:s1+s7], $0x80, v3, vm0, $0xb8;
	[tilespmem:$0x1E000] =	vst v63  }
0x67: {  	v3 =	vld [tilespmem:$0x60];
	_ =	sdelay $0x4  }
0x68: {  	v46 =	vperm.xlane v3, v0;
	_ =	sdelay $0x1  }
0x69: {  	v3 =	vperm.xlane v3, v2;
	v4 =	vadd.s32 v1, v46;
	_ =	sdelay $0x1  }
0x6a: {  	v3 =	vadd.s32 v1, v3;
	_ =	sdelay $0x1  }
0x6b: {  	s28 =	simm.s32 $0xF000  }
0x6c: {  	[tilespmem:s28], [sflag:$0x1] =	stream.indirect_vreg.gather [hbm4b:s1+s7], $0x80, v4, vm0, $0xb8;
	[tilespmem:$0x1E000] =	vst v63  }
0x6d: {  	s28 =	simm.s32 $0xFC00  }
0x6e: {  	[tilespmem:s28], [sflag:$0x1] =	stream.indirect_vreg.gather [hbm4b:s1+s7], $0x80, v3, vm0, $0xb8;
	[tilespmem:$0x1E000] =	vst v63  }
0x6f: {  	v3 =	vld [tilespmem:$0x70];
	_ =	sdelay $0x4  }
0x70: {  	v47 =	vperm.xlane v3, v0;
	_ =	sdelay $0x1  }
0x71: {  	v3 =	vperm.xlane v3, v2;
	v4 =	vadd.s32 v1, v47;
	_ =	sdelay $0x1  }
0x72: {  	v3 =	vadd.s32 v1, v3;
	_ =	sdelay $0x1  }
0x73: {  	s28 =	simm.s32 $0x10800  }
0x74: {  	[tilespmem:s28], [sflag:$0x1] =	stream.indirect_vreg.gather [hbm4b:s1+s7], $0x80, v4, vm0, $0xb8;
	[tilespmem:$0x1E000] =	vst v63  }
0x75: {  	s28 =	simm.s32 $0x11400  }
0x76: {  	[tilespmem:s28], [sflag:$0x1] =	stream.indirect_vreg.gather [hbm4b:s1+s7], $0x80, v3, vm0, $0xb8;
	[tilespmem:$0x1E000] =	vst v63  }
0x77: {  	v3 =	vld [tilespmem:$0x2000];
	_ =	sdelay $0x4  }
0x78: {  	v48 =	vperm.xlane v3, v0;
	_ =	sdelay $0x1  }
0x79: {  	v3 =	vperm.xlane v3, v2;
	v4 =	vadd.s32 v1, v48;
	_ =	sdelay $0x1  }
0x7a: {  	v3 =	vadd.s32 v1, v3;
	_ =	sdelay $0x1  }
0x7b: {  	s28 =	simm.s32 $0x6400  }
0x7c: {  	[tilespmem:s28], [sflag:$0x1] =	stream.indirect_vreg.gather [hbm4b:s2+s7], $0x80, v4, vm0, $0xb8;
	[tilespmem:$0x1E000] =	vst v63  }
0x7d: {  	s28 =	simm.s32 $0x7000  }
0x7e: {  	[tilespmem:s28], [sflag:$0x1] =	stream.indirect_vreg.gather [hbm4b:s2+s7], $0x80, v3, vm0, $0xb8;
	[tilespmem:$0x1E000] =	vst v63  }
0x7f: {  	v3 =	vld [tilespmem:$0x2010];
	_ =	sdelay $0x4  }
0x80: {  	v49 =	vperm.xlane v3, v0;
	_ =	sdelay $0x1  }
0x81: {  	v3 =	vperm.xlane v3, v2;
	v4 =	vadd.s32 v1, v49;
	_ =	sdelay $0x1  }
0x82: {  	v3 =	vadd.s32 v1, v3;
	_ =	sdelay $0x1  }
0x83: {  	s28 =	simm.s32 $0x7C00  }
0x84: {  	[tilespmem:s28], [sflag:$0x1] =	stream.indirect_vreg.gather [hbm4b:s2+s7], $0x80, v4, vm0, $0xb8;
	[tilespmem:$0x1E000] =	vst v63  }
0x85: {  	s28 =	simm.s32 $0x8800  }
0x86: {  	[tilespmem:s28], [sflag:$0x1] =	stream.indirect_vreg.gather [hbm4b:s2+s7], $0x80, v3, vm0, $0xb8;
	[tilespmem:$0x1E000] =	vst v63  }
0x87: {  	v3 =	vld [tilespmem:$0x2020];
	_ =	sdelay $0x4  }
0x88: {  	v50 =	vperm.xlane v3, v0;
	_ =	sdelay $0x1  }
0x89: {  	v3 =	vperm.xlane v3, v2;
	v4 =	vadd.s32 v1, v50;
	_ =	sdelay $0x1  }
0x8a: {  	v3 =	vadd.s32 v1, v3;
	_ =	sdelay $0x1  }
0x8b: {  	s28 =	simm.s32 $0x9400  }
0x8c: {  	[tilespmem:s28], [sflag:$0x1] =	stream.indirect_vreg.gather [hbm4b:s2+s7], $0x80, v4, vm0, $0xb8;
	[tilespmem:$0x1E000] =	vst v63  }
0x8d: {  	s28 =	simm.s32 $0xA000  }
0x8e: {  	[tilespmem:s28], [sflag:$0x1] =	stream.indirect_vreg.gather [hbm4b:s2+s7], $0x80, v3, vm0, $0xb8;
	[tilespmem:$0x1E000] =	vst v63  }
0x8f: {  	v3 =	vld [tilespmem:$0x2030];
	_ =	sdelay $0x4  }
0x90: {  	v51 =	vperm.xlane v3, v0;
	_ =	sdelay $0x1  }
0x91: {  	v3 =	vperm.xlane v3, v2;
	v4 =	vadd.s32 v1, v51;
	_ =	sdelay $0x1  }
0x92: {  	v3 =	vadd.s32 v1, v3;
	_ =	sdelay $0x1  }
0x93: {  	s28 =	simm.s32 $0xAC00  }
0x94: {  	[tilespmem:s28], [sflag:$0x1] =	stream.indirect_vreg.gather [hbm4b:s2+s7], $0x80, v4, vm0, $0xb8;
	[tilespmem:$0x1E000] =	vst v63  }
0x95: {  	s28 =	simm.s32 $0xB800  }
0x96: {  	[tilespmem:s28], [sflag:$0x1] =	stream.indirect_vreg.gather [hbm4b:s2+s7], $0x80, v3, vm0, $0xb8;
	[tilespmem:$0x1E000] =	vst v63  }
0x97: {  	v3 =	vld [tilespmem:$0x2040];
	_ =	sdelay $0x4  }
0x98: {  	v52 =	vperm.xlane v3, v0;
	_ =	sdelay $0x1  }
0x99: {  	v3 =	vperm.xlane v3, v2;
	v4 =	vadd.s32 v1, v52;
	_ =	sdelay $0x1  }
0x9a: {  	v3 =	vadd.s32 v1, v3;
	_ =	sdelay $0x1  }
0x9b: {  	s28 =	simm.s32 $0xC400  }
0x9c: {  	[tilespmem:s28], [sflag:$0x1] =	stream.indirect_vreg.gather [hbm4b:s2+s7], $0x80, v4, vm0, $0xb8;
	[tilespmem:$0x1E000] =	vst v63  }
0x9d: {  	s28 =	simm.s32 $0xD000  }
0x9e: {  	[tilespmem:s28], [sflag:$0x1] =	stream.indirect_vreg.gather [hbm4b:s2+s7], $0x80, v3, vm0, $0xb8;
	[tilespmem:$0x1E000] =	vst v63  }
0x9f: {  	v3 =	vld [tilespmem:$0x2050];
	_ =	sdelay $0x4  }
0xa0: {  	v53 =	vperm.xlane v3, v0;
	_ =	sdelay $0x1  }
0xa1: {  	v3 =	vperm.xlane v3, v2;
	v4 =	vadd.s32 v1, v53;
	_ =	sdelay $0x1  }
0xa2: {  	v3 =	vadd.s32 v1, v3;
	_ =	sdelay $0x1  }
0xa3: {  	s28 =	simm.s32 $0xDC00  }
0xa4: {  	[tilespmem:s28], [sflag:$0x1] =	stream.indirect_vreg.gather [hbm4b:s2+s7], $0x80, v4, vm0, $0xb8;
	[tilespmem:$0x1E000] =	vst v63  }
0xa5: {  	s28 =	simm.s32 $0xE800  }
0xa6: {  	[tilespmem:s28], [sflag:$0x1] =	stream.indirect_vreg.gather [hbm4b:s2+s7], $0x80, v3, vm0, $0xb8;
	[tilespmem:$0x1E000] =	vst v63  }
0xa7: {  	v3 =	vld [tilespmem:$0x2060];
	_ =	sdelay $0x4  }
0xa8: {  	v54 =	vperm.xlane v3, v0;
	_ =	sdelay $0x1  }
0xa9: {  	v3 =	vperm.xlane v3, v2;
	v4 =	vadd.s32 v1, v54;
	_ =	sdelay $0x1  }
0xaa: {  	v3 =	vadd.s32 v1, v3;
	_ =	sdelay $0x1  }
0xab: {  	s28 =	simm.s32 $0xF400  }
0xac: {  	[tilespmem:s28], [sflag:$0x1] =	stream.indirect_vreg.gather [hbm4b:s2+s7], $0x80, v4, vm0, $0xb8;
	[tilespmem:$0x1E000] =	vst v63  }
0xad: {  	s28 =	simm.s32 $0x10000  }
0xae: {  	[tilespmem:s28], [sflag:$0x1] =	stream.indirect_vreg.gather [hbm4b:s2+s7], $0x80, v3, vm0, $0xb8;
	[tilespmem:$0x1E000] =	vst v63  }
0xaf: {  	v3 =	vld [tilespmem:$0x2070];
	_ =	sdelay $0x4  }
0xb0: {  	v55 =	vperm.xlane v3, v0;
	_ =	sdelay $0x1  }
0xb1: {  	v3 =	vperm.xlane v3, v2;
	v4 =	vadd.s32 v1, v55;
	_ =	sdelay $0x1  }
0xb2: {  	v3 =	vadd.s32 v1, v3;
	_ =	sdelay $0x1  }
0xb3: {  	s28 =	simm.s32 $0x10C00  }
0xb4: {  	[tilespmem:s28], [sflag:$0x1] =	stream.indirect_vreg.gather [hbm4b:s2+s7], $0x80, v4, vm0, $0xb8;
	[tilespmem:$0x1E000] =	vst v63  }
0xb5: {  	s28 =	simm.s32 $0x11800  }
0xb6: {  	[tilespmem:s28], [sflag:$0x1] =	stream.indirect_vreg.gather [hbm4b:s2+s7], $0x80, v3, vm0, $0xb8;
	[tilespmem:$0x1E000] =	vst v63  }
0xb7: {  	v3 =	vld [tilespmem:$0x4000];
	_ =	sdelay $0x4  }
0xb8: {  	v56 =	vperm.xlane v3, v0;
	_ =	sdelay $0x1  }
0xb9: {  	v3 =	vperm.xlane v3, v2;
	v4 =	vadd.s32 v1, v56;
	_ =	sdelay $0x1  }
0xba: {  	v3 =	vadd.s32 v1, v3;
	_ =	sdelay $0x1  }
0xbb: {  	s28 =	simm.s32 $0x6800  }
0xbc: {  	[tilespmem:s28], [sflag:$0x1] =	stream.indirect_vreg.gather [hbm4b:s4+s7], $0x80, v4, vm0, $0xb8;
	[tilespmem:$0x1E000] =	vst v63  }
0xbd: {  	s28 =	simm.s32 $0x7400  }
0xbe: {  	[tilespmem:s28], [sflag:$0x1] =	stream.indirect_vreg.gather [hbm4b:s4+s7], $0x80, v3, vm0, $0xb8;
	[tilespmem:$0x1E000] =	vst v63  }
0xbf: {  	v3 =	vld [tilespmem:$0x4010];
	_ =	sdelay $0x4  }
0xc0: {  	v57 =	vperm.xlane v3, v0;
	_ =	sdelay $0x1  }
0xc1: {  	v3 =	vperm.xlane v3, v2;
	v4 =	vadd.s32 v1, v57;
	_ =	sdelay $0x1  }
0xc2: {  	v3 =	vadd.s32 v1, v3;
	_ =	sdelay $0x1  }
0xc3: {  	s28 =	simm.s32 $0x8000  }
0xc4: {  	[tilespmem:s28], [sflag:$0x1] =	stream.indirect_vreg.gather [hbm4b:s4+s7], $0x80, v4, vm0, $0xb8;
	[tilespmem:$0x1E000] =	vst v63  }
0xc5: {  	s28 =	simm.s32 $0x8C00  }
0xc6: {  	[tilespmem:s28], [sflag:$0x1] =	stream.indirect_vreg.gather [hbm4b:s4+s7], $0x80, v3, vm0, $0xb8;
	[tilespmem:$0x1E000] =	vst v63  }
0xc7: {  	v3 =	vld [tilespmem:$0x4020];
	_ =	sdelay $0x4  }
0xc8: {  	v58 =	vperm.xlane v3, v0;
	_ =	sdelay $0x1  }
0xc9: {  	v3 =	vperm.xlane v3, v2;
	v4 =	vadd.s32 v1, v58;
	_ =	sdelay $0x1  }
0xca: {  	v3 =	vadd.s32 v1, v3;
	_ =	sdelay $0x1  }
0xcb: {  	s28 =	simm.s32 $0x9800  }
0xcc: {  	[tilespmem:s28], [sflag:$0x1] =	stream.indirect_vreg.gather [hbm4b:s4+s7], $0x80, v4, vm0, $0xb8;
	[tilespmem:$0x1E000] =	vst v63  }
0xcd: {  	s28 =	simm.s32 $0xA400  }
0xce: {  	[tilespmem:s28], [sflag:$0x1] =	stream.indirect_vreg.gather [hbm4b:s4+s7], $0x80, v3, vm0, $0xb8;
	[tilespmem:$0x1E000] =	vst v63  }
0xcf: {  	v3 =	vld [tilespmem:$0x4030];
	_ =	sdelay $0x4  }
0xd0: {  	v59 =	vperm.xlane v3, v0;
	_ =	sdelay $0x1  }
0xd1: {  	v3 =	vperm.xlane v3, v2;
	v4 =	vadd.s32 v1, v59;
	_ =	sdelay $0x1  }
0xd2: {  	v3 =	vadd.s32 v1, v3;
	_ =	sdelay $0x1  }
0xd3: {  	s28 =	simm.s32 $0xB000  }
0xd4: {  	[tilespmem:s28], [sflag:$0x1] =	stream.indirect_vreg.gather [hbm4b:s4+s7], $0x80, v4, vm0, $0xb8;
	[tilespmem:$0x1E000] =	vst v63  }
0xd5: {  	s28 =	simm.s32 $0xBC00  }
0xd6: {  	[tilespmem:s28], [sflag:$0x1] =	stream.indirect_vreg.gather [hbm4b:s4+s7], $0x80, v3, vm0, $0xb8;
	[tilespmem:$0x1E000] =	vst v63  }
0xd7: {  	v3 =	vld [tilespmem:$0x4040];
	_ =	sdelay $0x4  }
0xd8: {  	v60 =	vperm.xlane v3, v0;
	_ =	sdelay $0x1  }
0xd9: {  	v3 =	vperm.xlane v3, v2;
	v4 =	vadd.s32 v1, v60;
	_ =	sdelay $0x1  }
0xda: {  	v3 =	vadd.s32 v1, v3;
	_ =	sdelay $0x1  }
0xdb: {  	s28 =	simm.s32 $0xC800  }
0xdc: {  	[tilespmem:s28], [sflag:$0x1] =	stream.indirect_vreg.gather [hbm4b:s4+s7], $0x80, v4, vm0, $0xb8;
	[tilespmem:$0x1E000] =	vst v63  }
0xdd: {  	s28 =	simm.s32 $0xD400  }
0xde: {  	[tilespmem:s28], [sflag:$0x1] =	stream.indirect_vreg.gather [hbm4b:s4+s7], $0x80, v3, vm0, $0xb8;
	[tilespmem:$0x1E000] =	vst v63  }
0xdf: {  	v3 =	vld [tilespmem:$0x4050];
	_ =	sdelay $0x4  }
0xe0: {  	v61 =	vperm.xlane v3, v0;
	_ =	sdelay $0x1  }
0xe1: {  	v3 =	vperm.xlane v3, v2;
	v4 =	vadd.s32 v1, v61;
	_ =	sdelay $0x1  }
0xe2: {  	v3 =	vadd.s32 v1, v3;
	_ =	sdelay $0x1  }
0xe3: {  	s28 =	simm.s32 $0xE000  }
0xe4: {  	[tilespmem:s28], [sflag:$0x1] =	stream.indirect_vreg.gather [hbm4b:s4+s7], $0x80, v4, vm0, $0xb8;
	[tilespmem:$0x1E000] =	vst v63  }
0xe5: {  	s28 =	simm.s32 $0xEC00  }
0xe6: {  	[tilespmem:s28], [sflag:$0x1] =	stream.indirect_vreg.gather [hbm4b:s4+s7], $0x80, v3, vm0, $0xb8;
	[tilespmem:$0x1E000] =	vst v63  }
0xe7: {  	v3 =	vld [tilespmem:$0x4060];
	_ =	sdelay $0x4  }
0xe8: {  	v62 =	vperm.xlane v3, v0;
	_ =	sdelay $0x1  }
0xe9: {  	v3 =	vperm.xlane v3, v2;
	v4 =	vadd.s32 v1, v62;
	_ =	sdelay $0x1  }
0xea: {  	v3 =	vadd.s32 v1, v3;
	_ =	sdelay $0x1  }
0xeb: {  	s28 =	simm.s32 $0xF800  }
0xec: {  	[tilespmem:s28], [sflag:$0x1] =	stream.indirect_vreg.gather [hbm4b:s4+s7], $0x80, v4, vm0, $0xb8;
	[tilespmem:$0x1E000] =	vst v63  }
0xed: {  	s28 =	simm.s32 $0x10400  }
0xee: {  	[tilespmem:s28], [sflag:$0x1] =	stream.indirect_vreg.gather [hbm4b:s4+s7], $0x80, v3, vm0, $0xb8;
	[tilespmem:$0x1E000] =	vst v63  }
0xef: {  	v3 =	vld [tilespmem:$0x4070];
	_ =	sdelay $0x4  }
0xf0: {  	v63 =	vperm.xlane v3, v0;
	_ =	sdelay $0x1  }
0xf1: {  	v3 =	vperm.xlane v3, v2;
	v4 =	vadd.s32 v1, v63;
	_ =	sdelay $0x1  }
0xf2: {  	v3 =	vadd.s32 v1, v3;
	_ =	sdelay $0x1  }
.Ltmp2:
0xf3: {  	s28 =	simm.s32 $0x11000;
	(pc) =	sbr.rel .LBB2_2-.Ltmp2, $4  }
0xf4: {  	[tilespmem:s28], [sflag:$0x1] =	stream.indirect_vreg.gather [hbm4b:s4+s7], $0x80, v4, vm0, $0xb8;
	[tilespmem:$0x1E000] =	vst v63  }
0xf5: {  	s28 =	simm.s32 $0x11C00  }
0xf6: {  	[tilespmem:s28], [sflag:$0x1] =	stream.indirect_vreg.gather [hbm4b:s4+s7], $0x80, v3, vm0, $0xb8;
	[tilespmem:$0x1E000] =	vst v63  }
0xf7: {  	s30 =	simm.s32 $0x0;
	s28 =	simm.s32 $0x0  }
.LBB2_4:
0xf8: {  	_ =	swait.ge [sflag:s25], $0xC000  }
0xf9: {  	[sflag:s25] =	ssyncset.done $0x0  }
0xfa: {  	s29 =	sshra.s32 s28, $0x2;
	[sflag:s25] =	ssyncadd.s32 $0xFFFF4000  }
0xfb: {  	v3 =	vld [tilespmem:s29+$0x0];
	_ =	sdelay $0x4  }
0xfc: {  	v4 =	vperm.xlane v3, v0;
	_ =	sdelay $0x1  }
0xfd: {  	v3 =	vperm.xlane v3, v2;
	v4 =	vadd.s32 v1, v4;
	_ =	sdelay $0x1  }
0xfe: {  	v3 =	vadd.s32 v1, v3;
	_ =	sdelay $0x2  }
0xff: {  	[tilespmem:s17], [sflag:$0x1] =	stream.indirect_vreg.gather [hbm4b:s1+s7], $0x80, v4, vm0, $0xb8;
	[tilespmem:$0x1E000] =	vst v63  }
0x100: {  	s31 =	simm.s32 $0x6C00  }
0x101: {  	[tilespmem:s31], [sflag:$0x1] =	stream.indirect_vreg.gather [hbm4b:s1+s7], $0x80, v3, vm0, $0xb8;
	[tilespmem:$0x1E000] =	vst v63  }
0x102: {  	v3 =	vld [tilespmem:s29+$0x10];
	_ =	sdelay $0x4  }
0x103: {  	v41 =	vperm.xlane v3, v0;
	_ =	sdelay $0x1  }
0x104: {  	v3 =	vperm.xlane v3, v2;
	v4 =	vadd.s32 v1, v41;
	_ =	sdelay $0x1  }
0x105: {  	v3 =	vadd.s32 v1, v3;
	_ =	sdelay $0x1  }
0x106: {  	s31 =	simm.s32 $0x7800  }
0x107: {  	[tilespmem:s31], [sflag:$0x1] =	stream.indirect_vreg.gather [hbm4b:s1+s7], $0x80, v4, vm0, $0xb8;
	[tilespmem:$0x1E000] =	vst v63  }
0x108: {  	s31 =	simm.s32 $0x8400  }
0x109: {  	[tilespmem:s31], [sflag:$0x1] =	stream.indirect_vreg.gather [hbm4b:s1+s7], $0x80, v3, vm0, $0xb8;
	[tilespmem:$0x1E000] =	vst v63  }
0x10a: {  	v3 =	vld [tilespmem:s29+$0x20];
	_ =	sdelay $0x4  }
0x10b: {  	v42 =	vperm.xlane v3, v0;
	_ =	sdelay $0x1  }
0x10c: {  	v3 =	vperm.xlane v3, v2;
	v4 =	vadd.s32 v1, v42;
	_ =	sdelay $0x1  }
0x10d: {  	v3 =	vadd.s32 v1, v3;
	_ =	sdelay $0x1  }
0x10e: {  	s31 =	simm.s32 $0x9000  }
0x10f: {  	[tilespmem:s31], [sflag:$0x1] =	stream.indirect_vreg.gather [hbm4b:s1+s7], $0x80, v4, vm0, $0xb8;
	[tilespmem:$0x1E000] =	vst v63  }
0x110: {  	s31 =	simm.s32 $0x9C00  }
0x111: {  	[tilespmem:s31], [sflag:$0x1] =	stream.indirect_vreg.gather [hbm4b:s1+s7], $0x80, v3, vm0, $0xb8;
	[tilespmem:$0x1E000] =	vst v63  }
0x112: {  	v3 =	vld [tilespmem:s29+$0x30];
	_ =	sdelay $0x4  }
0x113: {  	v43 =	vperm.xlane v3, v0;
	_ =	sdelay $0x1  }
0x114: {  	v3 =	vperm.xlane v3, v2;
	v4 =	vadd.s32 v1, v43;
	_ =	sdelay $0x1  }
0x115: {  	v3 =	vadd.s32 v1, v3;
	_ =	sdelay $0x1  }
0x116: {  	s31 =	simm.s32 $0xA800  }
0x117: {  	[tilespmem:s31], [sflag:$0x1] =	stream.indirect_vreg.gather [hbm4b:s1+s7], $0x80, v4, vm0, $0xb8;
	[tilespmem:$0x1E000] =	vst v63  }
0x118: {  	s31 =	simm.s32 $0xB400  }
0x119: {  	[tilespmem:s31], [sflag:$0x1] =	stream.indirect_vreg.gather [hbm4b:s1+s7], $0x80, v3, vm0, $0xb8;
	[tilespmem:$0x1E000] =	vst v63  }
0x11a: {  	v3 =	vld [tilespmem:s29+$0x40];
	_ =	sdelay $0x4  }
0x11b: {  	v44 =	vperm.xlane v3, v0;
	_ =	sdelay $0x1  }
0x11c: {  	v3 =	vperm.xlane v3, v2;
	v4 =	vadd.s32 v1, v44;
	_ =	sdelay $0x1  }
0x11d: {  	v3 =	vadd.s32 v1, v3;
	_ =	sdelay $0x1  }
0x11e: {  	s31 =	simm.s32 $0xC000  }
0x11f: {  	[tilespmem:s31], [sflag:$0x1] =	stream.indirect_vreg.gather [hbm4b:s1+s7], $0x80, v4, vm0, $0xb8;
	[tilespmem:$0x1E000] =	vst v63  }
0x120: {  	s31 =	simm.s32 $0xCC00  }
0x121: {  	[tilespmem:s31], [sflag:$0x1] =	stream.indirect_vreg.gather [hbm4b:s1+s7], $0x80, v3, vm0, $0xb8;
	[tilespmem:$0x1E000] =	vst v63  }
0x122: {  	v3 =	vld [tilespmem:s29+$0x50];
	_ =	sdelay $0x4  }
0x123: {  	v45 =	vperm.xlane v3, v0;
	_ =	sdelay $0x1  }
0x124: {  	v3 =	vperm.xlane v3, v2;
	v4 =	vadd.s32 v1, v45;
	_ =	sdelay $0x1  }
0x125: {  	v3 =	vadd.s32 v1, v3;
	_ =	sdelay $0x1  }
0x126: {  	s31 =	simm.s32 $0xD800  }
0x127: {  	[tilespmem:s31], [sflag:$0x1] =	stream.indirect_vreg.gather [hbm4b:s1+s7], $0x80, v4, vm0, $0xb8;
	[tilespmem:$0x1E000] =	vst v63  }
0x128: {  	s31 =	simm.s32 $0xE400  }
0x129: {  	[tilespmem:s31], [sflag:$0x1] =	stream.indirect_vreg.gather [hbm4b:s1+s7], $0x80, v3, vm0, $0xb8;
	[tilespmem:$0x1E000] =	vst v63  }
0x12a: {  	v3 =	vld [tilespmem:s29+$0x60];
	_ =	sdelay $0x4  }
0x12b: {  	v46 =	vperm.xlane v3, v0;
	_ =	sdelay $0x1  }
0x12c: {  	v3 =	vperm.xlane v3, v2;
	v4 =	vadd.s32 v1, v46;
	_ =	sdelay $0x1  }
0x12d: {  	v3 =	vadd.s32 v1, v3;
	_ =	sdelay $0x1  }
0x12e: {  	s31 =	simm.s32 $0xF000  }
0x12f: {  	[tilespmem:s31], [sflag:$0x1] =	stream.indirect_vreg.gather [hbm4b:s1+s7], $0x80, v4, vm0, $0xb8;
	[tilespmem:$0x1E000] =	vst v63  }
0x130: {  	s31 =	simm.s32 $0xFC00  }
0x131: {  	[tilespmem:s31], [sflag:$0x1] =	stream.indirect_vreg.gather [hbm4b:s1+s7], $0x80, v3, vm0, $0xb8;
	[tilespmem:$0x1E000] =	vst v63  }
0x132: {  	v3 =	vld [tilespmem:s29+$0x70];
	_ =	sdelay $0x4  }
0x133: {  	v47 =	vperm.xlane v3, v0;
	_ =	sdelay $0x1  }
0x134: {  	v3 =	vperm.xlane v3, v2;
	v4 =	vadd.s32 v1, v47;
	_ =	sdelay $0x1  }
0x135: {  	v3 =	vadd.s32 v1, v3;
	_ =	sdelay $0x1  }
0x136: {  	s31 =	simm.s32 $0x10800  }
0x137: {  	[tilespmem:s31], [sflag:$0x1] =	stream.indirect_vreg.gather [hbm4b:s1+s7], $0x80, v4, vm0, $0xb8;
	[tilespmem:$0x1E000] =	vst v63  }
0x138: {  	s31 =	simm.s32 $0x11400  }
0x139: {  	[tilespmem:s31], [sflag:$0x1] =	stream.indirect_vreg.gather [hbm4b:s1+s7], $0x80, v3, vm0, $0xb8;
	[tilespmem:$0x1E000] =	vst v63  }
0x13a: {  	v3 =	vld [tilespmem:s29+$0x2000];
	_ =	sdelay $0x4  }
0x13b: {  	v48 =	vperm.xlane v3, v0;
	_ =	sdelay $0x1  }
0x13c: {  	v3 =	vperm.xlane v3, v2;
	v4 =	vadd.s32 v1, v48;
	_ =	sdelay $0x1  }
0x13d: {  	v3 =	vadd.s32 v1, v3;
	_ =	sdelay $0x1  }
0x13e: {  	s31 =	simm.s32 $0x6400  }
0x13f: {  	[tilespmem:s31], [sflag:$0x1] =	stream.indirect_vreg.gather [hbm4b:s2+s7], $0x80, v4, vm0, $0xb8;
	[tilespmem:$0x1E000] =	vst v63  }
0x140: {  	s31 =	simm.s32 $0x7000  }
0x141: {  	[tilespmem:s31], [sflag:$0x1] =	stream.indirect_vreg.gather [hbm4b:s2+s7], $0x80, v3, vm0, $0xb8;
	[tilespmem:$0x1E000] =	vst v63  }
0x142: {  	v3 =	vld [tilespmem:s29+$0x2010];
	_ =	sdelay $0x4  }
0x143: {  	v49 =	vperm.xlane v3, v0;
	_ =	sdelay $0x1  }
0x144: {  	v3 =	vperm.xlane v3, v2;
	v4 =	vadd.s32 v1, v49;
	_ =	sdelay $0x1  }
0x145: {  	v3 =	vadd.s32 v1, v3;
	_ =	sdelay $0x1  }
0x146: {  	s31 =	simm.s32 $0x7C00  }
0x147: {  	[tilespmem:s31], [sflag:$0x1] =	stream.indirect_vreg.gather [hbm4b:s2+s7], $0x80, v4, vm0, $0xb8;
	[tilespmem:$0x1E000] =	vst v63  }
0x148: {  	s31 =	simm.s32 $0x8800  }
0x149: {  	[tilespmem:s31], [sflag:$0x1] =	stream.indirect_vreg.gather [hbm4b:s2+s7], $0x80, v3, vm0, $0xb8;
	[tilespmem:$0x1E000] =	vst v63  }
0x14a: {  	v3 =	vld [tilespmem:s29+$0x2020];
	_ =	sdelay $0x4  }
0x14b: {  	v50 =	vperm.xlane v3, v0;
	_ =	sdelay $0x1  }
0x14c: {  	v3 =	vperm.xlane v3, v2;
	v4 =	vadd.s32 v1, v50;
	_ =	sdelay $0x1  }
0x14d: {  	v3 =	vadd.s32 v1, v3;
	_ =	sdelay $0x1  }
0x14e: {  	s31 =	simm.s32 $0x9400  }
0x14f: {  	[tilespmem:s31], [sflag:$0x1] =	stream.indirect_vreg.gather [hbm4b:s2+s7], $0x80, v4, vm0, $0xb8;
	[tilespmem:$0x1E000] =	vst v63  }
0x150: {  	s31 =	simm.s32 $0xA000  }
0x151: {  	[tilespmem:s31], [sflag:$0x1] =	stream.indirect_vreg.gather [hbm4b:s2+s7], $0x80, v3, vm0, $0xb8;
	[tilespmem:$0x1E000] =	vst v63  }
0x152: {  	v3 =	vld [tilespmem:s29+$0x2030];
	_ =	sdelay $0x4  }
0x153: {  	v51 =	vperm.xlane v3, v0;
	_ =	sdelay $0x1  }
0x154: {  	v3 =	vperm.xlane v3, v2;
	v4 =	vadd.s32 v1, v51;
	_ =	sdelay $0x1  }
0x155: {  	v3 =	vadd.s32 v1, v3;
	_ =	sdelay $0x1  }
0x156: {  	s31 =	simm.s32 $0xAC00  }
0x157: {  	[tilespmem:s31], [sflag:$0x1] =	stream.indirect_vreg.gather [hbm4b:s2+s7], $0x80, v4, vm0, $0xb8;
	[tilespmem:$0x1E000] =	vst v63  }
0x158: {  	s31 =	simm.s32 $0xB800  }
0x159: {  	[tilespmem:s31], [sflag:$0x1] =	stream.indirect_vreg.gather [hbm4b:s2+s7], $0x80, v3, vm0, $0xb8;
	[tilespmem:$0x1E000] =	vst v63  }
0x15a: {  	v3 =	vld [tilespmem:s29+$0x2040];
	_ =	sdelay $0x4  }
0x15b: {  	v52 =	vperm.xlane v3, v0;
	_ =	sdelay $0x1  }
0x15c: {  	v3 =	vperm.xlane v3, v2;
	v4 =	vadd.s32 v1, v52;
	_ =	sdelay $0x1  }
0x15d: {  	v3 =	vadd.s32 v1, v3;
	_ =	sdelay $0x1  }
0x15e: {  	s31 =	simm.s32 $0xC400  }
0x15f: {  	[tilespmem:s31], [sflag:$0x1] =	stream.indirect_vreg.gather [hbm4b:s2+s7], $0x80, v4, vm0, $0xb8;
	[tilespmem:$0x1E000] =	vst v63  }
0x160: {  	s31 =	simm.s32 $0xD000  }
0x161: {  	[tilespmem:s31], [sflag:$0x1] =	stream.indirect_vreg.gather [hbm4b:s2+s7], $0x80, v3, vm0, $0xb8;
	[tilespmem:$0x1E000] =	vst v63  }
0x162: {  	v3 =	vld [tilespmem:s29+$0x2050];
	_ =	sdelay $0x4  }
0x163: {  	v53 =	vperm.xlane v3, v0;
	_ =	sdelay $0x1  }
0x164: {  	v3 =	vperm.xlane v3, v2;
	v4 =	vadd.s32 v1, v53;
	_ =	sdelay $0x1  }
0x165: {  	v3 =	vadd.s32 v1, v3;
	_ =	sdelay $0x1  }
0x166: {  	s31 =	simm.s32 $0xDC00  }
0x167: {  	[tilespmem:s31], [sflag:$0x1] =	stream.indirect_vreg.gather [hbm4b:s2+s7], $0x80, v4, vm0, $0xb8;
	[tilespmem:$0x1E000] =	vst v63  }
0x168: {  	s31 =	simm.s32 $0xE800  }
0x169: {  	[tilespmem:s31], [sflag:$0x1] =	stream.indirect_vreg.gather [hbm4b:s2+s7], $0x80, v3, vm0, $0xb8;
	[tilespmem:$0x1E000] =	vst v63  }
0x16a: {  	v3 =	vld [tilespmem:s29+$0x2060];
	_ =	sdelay $0x4  }
0x16b: {  	v54 =	vperm.xlane v3, v0;
	_ =	sdelay $0x1  }
0x16c: {  	v3 =	vperm.xlane v3, v2;
	v4 =	vadd.s32 v1, v54;
	_ =	sdelay $0x1  }
0x16d: {  	v3 =	vadd.s32 v1, v3;
	_ =	sdelay $0x1  }
0x16e: {  	s31 =	simm.s32 $0xF400  }
0x16f: {  	[tilespmem:s31], [sflag:$0x1] =	stream.indirect_vreg.gather [hbm4b:s2+s7], $0x80, v4, vm0, $0xb8;
	[tilespmem:$0x1E000] =	vst v63  }
0x170: {  	s31 =	simm.s32 $0x10000  }
0x171: {  	[tilespmem:s31], [sflag:$0x1] =	stream.indirect_vreg.gather [hbm4b:s2+s7], $0x80, v3, vm0, $0xb8;
	[tilespmem:$0x1E000] =	vst v63  }
0x172: {  	v3 =	vld [tilespmem:s29+$0x2070];
	_ =	sdelay $0x4  }
0x173: {  	v55 =	vperm.xlane v3, v0;
	_ =	sdelay $0x1  }
0x174: {  	v3 =	vperm.xlane v3, v2;
	v4 =	vadd.s32 v1, v55;
	_ =	sdelay $0x1  }
0x175: {  	v3 =	vadd.s32 v1, v3;
	_ =	sdelay $0x1  }
0x176: {  	s31 =	simm.s32 $0x10C00  }
0x177: {  	[tilespmem:s31], [sflag:$0x1] =	stream.indirect_vreg.gather [hbm4b:s2+s7], $0x80, v4, vm0, $0xb8;
	[tilespmem:$0x1E000] =	vst v63  }
0x178: {  	s31 =	simm.s32 $0x11800  }
0x179: {  	[tilespmem:s31], [sflag:$0x1] =	stream.indirect_vreg.gather [hbm4b:s2+s7], $0x80, v3, vm0, $0xb8;
	[tilespmem:$0x1E000] =	vst v63  }
0x17a: {  	v3 =	vld [tilespmem:s29+$0x4000];
	_ =	sdelay $0x4  }
0x17b: {  	v56 =	vperm.xlane v3, v0;
	_ =	sdelay $0x1  }
0x17c: {  	v3 =	vperm.xlane v3, v2;
	v4 =	vadd.s32 v1, v56;
	_ =	sdelay $0x1  }
0x17d: {  	v3 =	vadd.s32 v1, v3;
	_ =	sdelay $0x1  }
0x17e: {  	s31 =	simm.s32 $0x6800  }
0x17f: {  	[tilespmem:s31], [sflag:$0x1] =	stream.indirect_vreg.gather [hbm4b:s4+s7], $0x80, v4, vm0, $0xb8;
	[tilespmem:$0x1E000] =	vst v63  }
0x180: {  	s31 =	simm.s32 $0x7400  }
0x181: {  	[tilespmem:s31], [sflag:$0x1] =	stream.indirect_vreg.gather [hbm4b:s4+s7], $0x80, v3, vm0, $0xb8;
	[tilespmem:$0x1E000] =	vst v63  }
0x182: {  	v3 =	vld [tilespmem:s29+$0x4010];
	_ =	sdelay $0x4  }
0x183: {  	v57 =	vperm.xlane v3, v0;
	_ =	sdelay $0x1  }
0x184: {  	v3 =	vperm.xlane v3, v2;
	v4 =	vadd.s32 v1, v57;
	_ =	sdelay $0x1  }
0x185: {  	v3 =	vadd.s32 v1, v3;
	_ =	sdelay $0x1  }
0x186: {  	s31 =	simm.s32 $0x8000  }
0x187: {  	[tilespmem:s31], [sflag:$0x1] =	stream.indirect_vreg.gather [hbm4b:s4+s7], $0x80, v4, vm0, $0xb8;
	[tilespmem:$0x1E000] =	vst v63  }
0x188: {  	s31 =	simm.s32 $0x8C00  }
0x189: {  	[tilespmem:s31], [sflag:$0x1] =	stream.indirect_vreg.gather [hbm4b:s4+s7], $0x80, v3, vm0, $0xb8;
	[tilespmem:$0x1E000] =	vst v63  }
0x18a: {  	v3 =	vld [tilespmem:s29+$0x4020];
	_ =	sdelay $0x4  }
0x18b: {  	v58 =	vperm.xlane v3, v0;
	_ =	sdelay $0x1  }
0x18c: {  	v3 =	vperm.xlane v3, v2;
	v4 =	vadd.s32 v1, v58;
	_ =	sdelay $0x1  }
0x18d: {  	v3 =	vadd.s32 v1, v3;
	_ =	sdelay $0x1  }
0x18e: {  	s31 =	simm.s32 $0x9800  }
0x18f: {  	[tilespmem:s31], [sflag:$0x1] =	stream.indirect_vreg.gather [hbm4b:s4+s7], $0x80, v4, vm0, $0xb8;
	[tilespmem:$0x1E000] =	vst v63  }
0x190: {  	s31 =	simm.s32 $0xA400  }
0x191: {  	[tilespmem:s31], [sflag:$0x1] =	stream.indirect_vreg.gather [hbm4b:s4+s7], $0x80, v3, vm0, $0xb8;
	[tilespmem:$0x1E000] =	vst v63  }
0x192: {  	v3 =	vld [tilespmem:s29+$0x4030];
	_ =	sdelay $0x4  }
0x193: {  	v59 =	vperm.xlane v3, v0;
	_ =	sdelay $0x1  }
0x194: {  	v3 =	vperm.xlane v3, v2;
	v4 =	vadd.s32 v1, v59;
	_ =	sdelay $0x1  }
0x195: {  	v3 =	vadd.s32 v1, v3;
	_ =	sdelay $0x1  }
0x196: {  	s31 =	simm.s32 $0xB000  }
0x197: {  	[tilespmem:s31], [sflag:$0x1] =	stream.indirect_vreg.gather [hbm4b:s4+s7], $0x80, v4, vm0, $0xb8;
	[tilespmem:$0x1E000] =	vst v63  }
0x198: {  	s31 =	simm.s32 $0xBC00  }
0x199: {  	[tilespmem:s31], [sflag:$0x1] =	stream.indirect_vreg.gather [hbm4b:s4+s7], $0x80, v3, vm0, $0xb8;
	[tilespmem:$0x1E000] =	vst v63  }
0x19a: {  	v3 =	vld [tilespmem:s29+$0x4040];
	_ =	sdelay $0x4  }
0x19b: {  	v60 =	vperm.xlane v3, v0;
	_ =	sdelay $0x1  }
0x19c: {  	v3 =	vperm.xlane v3, v2;
	v4 =	vadd.s32 v1, v60;
	_ =	sdelay $0x1  }
0x19d: {  	v3 =	vadd.s32 v1, v3;
	_ =	sdelay $0x1  }
0x19e: {  	s31 =	simm.s32 $0xC800  }
0x19f: {  	[tilespmem:s31], [sflag:$0x1] =	stream.indirect_vreg.gather [hbm4b:s4+s7], $0x80, v4, vm0, $0xb8;
	[tilespmem:$0x1E000] =	vst v63  }
0x1a0: {  	s31 =	simm.s32 $0xD400  }
0x1a1: {  	[tilespmem:s31], [sflag:$0x1] =	stream.indirect_vreg.gather [hbm4b:s4+s7], $0x80, v3, vm0, $0xb8;
	[tilespmem:$0x1E000] =	vst v63  }
0x1a2: {  	v3 =	vld [tilespmem:s29+$0x4050];
	_ =	sdelay $0x4  }
0x1a3: {  	v61 =	vperm.xlane v3, v0;
	_ =	sdelay $0x1  }
0x1a4: {  	v3 =	vperm.xlane v3, v2;
	v4 =	vadd.s32 v1, v61;
	_ =	sdelay $0x1  }
0x1a5: {  	v3 =	vadd.s32 v1, v3;
	_ =	sdelay $0x1  }
0x1a6: {  	s31 =	simm.s32 $0xE000  }
0x1a7: {  	[tilespmem:s31], [sflag:$0x1] =	stream.indirect_vreg.gather [hbm4b:s4+s7], $0x80, v4, vm0, $0xb8;
	[tilespmem:$0x1E000] =	vst v63  }
0x1a8: {  	s31 =	simm.s32 $0xEC00  }
0x1a9: {  	[tilespmem:s31], [sflag:$0x1] =	stream.indirect_vreg.gather [hbm4b:s4+s7], $0x80, v3, vm0, $0xb8;
	[tilespmem:$0x1E000] =	vst v63  }
0x1aa: {  	v3 =	vld [tilespmem:s29+$0x4060];
	_ =	sdelay $0x4  }
0x1ab: {  	v62 =	vperm.xlane v3, v0;
	_ =	sdelay $0x1  }
0x1ac: {  	v3 =	vperm.xlane v3, v2;
	v4 =	vadd.s32 v1, v62;
	_ =	sdelay $0x1  }
0x1ad: {  	v3 =	vadd.s32 v1, v3;
	_ =	sdelay $0x1  }
0x1ae: {  	s31 =	simm.s32 $0xF800  }
0x1af: {  	[tilespmem:s31], [sflag:$0x1] =	stream.indirect_vreg.gather [hbm4b:s4+s7], $0x80, v4, vm0, $0xb8;
	[tilespmem:$0x1E000] =	vst v63  }
0x1b0: {  	s31 =	simm.s32 $0x10400  }
0x1b1: {  	[tilespmem:s31], [sflag:$0x1] =	stream.indirect_vreg.gather [hbm4b:s4+s7], $0x80, v3, vm0, $0xb8;
	[tilespmem:$0x1E000] =	vst v63  }
0x1b2: {  	v3 =	vld [tilespmem:s29+$0x4070];
	_ =	sdelay $0x4  }
0x1b3: {  	v63 =	vperm.xlane v3, v0;
	_ =	sdelay $0x1  }
0x1b4: {  	v3 =	vperm.xlane v3, v2;
	v4 =	vadd.s32 v1, v63;
	_ =	sdelay $0x1  }
0x1b5: {  	v3 =	vadd.s32 v1, v3;
	_ =	sdelay $0x1  }
0x1b6: {  	s29 =	simm.s32 $0x11000  }
0x1b7: {  	[tilespmem:s29], [sflag:$0x1] =	stream.indirect_vreg.gather [hbm4b:s4+s7], $0x80, v4, vm0, $0xb8;
	[tilespmem:$0x1E000] =	vst v63  }
0x1b8: {  	s29 =	simm.s32 $0x11C00  }
0x1b9: {  	[tilespmem:s29], [sflag:$0x1] =	stream.indirect_vreg.gather [hbm4b:s4+s7], $0x80, v3, vm0, $0xb8;
	[tilespmem:$0x1E000] =	vst v63  }
0x1ba: {  	_ =	swait.ge [sflag:s24], $0x4000  }
0x1bb: {  	[sflag:s24] =	ssyncset.done $0x0  }
0x1bc: {  	[sflag:s24] =	ssyncadd.s32 $0xFFFFC000  }
0x1bd: {  	_ =	swait.ge [sflag:s24], $0x4000  }
0x1be: {  	s29 =	sadd.s32 s30, s13;
	[sflag:s24] =	ssyncset.done $0x0  }
0x1bf: {  	s29 =	sshrl.u32 s29, $0x3;
	[sflag:s24] =	ssyncadd.s32 $0xFFFFC000  }
0x1c0: {  	s29 =	smul.u32 $0x180, s29;
	_ =	swait.ge [sflag:s24], $0x4000  }
0x1c1: {  	[sflag:s24] =	ssyncset.done $0x0  }
0x1c2: {  	s29 =	sadd.s32 s5, s29;
	[sflag:s24] =	ssyncadd.s32 $0xFFFFC000  }
0x1c3: {  	[hbm4b:s29+s7] =	stream.linear.scatter [tilespmem:s19], [sflag:$0x4], $0xC000, $0x38;
	[tilespmem:$0x1E000] =	vst v63  }
0x1c4: {  	_ =	swait.ge [sflag:s26], $0xC000  }
0x1c5: {  	[sflag:s26] =	ssyncset.done $0x0  }
0x1c6: {  	s29 =	smov.u32 s30;
	[sflag:s26] =	ssyncadd.s32 $0xFFFF4000  }
.LBB2_5:
0x1c7: {  	s31 =	sor.u32 $0x80, s29  }
0x1c8: {  	v3 =	vld [tilespmem:s31+$0x0];
	_ =	sdelay $0x4  }
0x1c9: {  	v4 =	vperm.xlane v3, v0;
	_ =	sdelay $0x1  }
0x1ca: {  	v3 =	vperm.xlane v3, v2;
	v4 =	vadd.s32 v1, v4;
	_ =	sdelay $0x1  }
0x1cb: {  	v3 =	vadd.s32 v1, v3;
	_ =	sdelay $0x2  }
0x1cc: {  	[tilespmem:s19], [sflag:$0x2] =	stream.indirect_vreg.gather [hbm4b:s1+s7], $0x80, v4, vm0, $0xb8;
	[tilespmem:$0x1E000] =	vst v63  }
0x1cd: {  	s31 =	simm.s32 $0x12C00  }
0x1ce: {  	[tilespmem:s31], [sflag:$0x2] =	stream.indirect_vreg.gather [hbm4b:s1+s7], $0x80, v3, vm0, $0xb8;
	[tilespmem:$0x1E000] =	vst v63  }
0x1cf: {  	v3 =	vld [tilespmem:s29+$0x90];
	_ =	sdelay $0x4  }
0x1d0: {  	v41 =	vperm.xlane v3, v0;
	_ =	sdelay $0x1  }
0x1d1: {  	v3 =	vperm.xlane v3, v2;
	v4 =	vadd.s32 v1, v41;
	_ =	sdelay $0x1  }
0x1d2: {  	v3 =	vadd.s32 v1, v3;
	_ =	sdelay $0x1  }
0x1d3: {  	s31 =	simm.s32 $0x13800  }
0x1d4: {  	[tilespmem:s31], [sflag:$0x2] =	stream.indirect_vreg.gather [hbm4b:s1+s7], $0x80, v4, vm0, $0xb8;
	[tilespmem:$0x1E000] =	vst v63  }
0x1d5: {  	s31 =	simm.s32 $0x14400  }
0x1d6: {  	[tilespmem:s31], [sflag:$0x2] =	stream.indirect_vreg.gather [hbm4b:s1+s7], $0x80, v3, vm0, $0xb8;
	[tilespmem:$0x1E000] =	vst v63  }
0x1d7: {  	v3 =	vld [tilespmem:s29+$0xA0];
	_ =	sdelay $0x4  }
0x1d8: {  	v42 =	vperm.xlane v3, v0;
	_ =	sdelay $0x1  }
0x1d9: {  	v3 =	vperm.xlane v3, v2;
	v4 =	vadd.s32 v1, v42;
	_ =	sdelay $0x1  }
0x1da: {  	v3 =	vadd.s32 v1, v3;
	_ =	sdelay $0x1  }
0x1db: {  	s31 =	simm.s32 $0x15000  }
0x1dc: {  	[tilespmem:s31], [sflag:$0x2] =	stream.indirect_vreg.gather [hbm4b:s1+s7], $0x80, v4, vm0, $0xb8;
	[tilespmem:$0x1E000] =	vst v63  }
0x1dd: {  	s31 =	simm.s32 $0x15C00  }
0x1de: {  	[tilespmem:s31], [sflag:$0x2] =	stream.indirect_vreg.gather [hbm4b:s1+s7], $0x80, v3, vm0, $0xb8;
	[tilespmem:$0x1E000] =	vst v63  }
0x1df: {  	v3 =	vld [tilespmem:s29+$0xB0];
	_ =	sdelay $0x4  }
0x1e0: {  	v43 =	vperm.xlane v3, v0;
	_ =	sdelay $0x1  }
0x1e1: {  	v3 =	vperm.xlane v3, v2;
	v4 =	vadd.s32 v1, v43;
	_ =	sdelay $0x1  }
0x1e2: {  	v3 =	vadd.s32 v1, v3;
	_ =	sdelay $0x1  }
0x1e3: {  	s31 =	simm.s32 $0x16800  }
0x1e4: {  	[tilespmem:s31], [sflag:$0x2] =	stream.indirect_vreg.gather [hbm4b:s1+s7], $0x80, v4, vm0, $0xb8;
	[tilespmem:$0x1E000] =	vst v63  }
0x1e5: {  	s31 =	simm.s32 $0x17400  }
0x1e6: {  	[tilespmem:s31], [sflag:$0x2] =	stream.indirect_vreg.gather [hbm4b:s1+s7], $0x80, v3, vm0, $0xb8;
	[tilespmem:$0x1E000] =	vst v63  }
0x1e7: {  	v3 =	vld [tilespmem:s29+$0xC0];
	_ =	sdelay $0x4  }
0x1e8: {  	v44 =	vperm.xlane v3, v0;
	_ =	sdelay $0x1  }
0x1e9: {  	v3 =	vperm.xlane v3, v2;
	v4 =	vadd.s32 v1, v44;
	_ =	sdelay $0x1  }
0x1ea: {  	v3 =	vadd.s32 v1, v3;
	_ =	sdelay $0x1  }
0x1eb: {  	s31 =	simm.s32 $0x18000  }
0x1ec: {  	[tilespmem:s31], [sflag:$0x2] =	stream.indirect_vreg.gather [hbm4b:s1+s7], $0x80, v4, vm0, $0xb8;
	[tilespmem:$0x1E000] =	vst v63  }
0x1ed: {  	s31 =	simm.s32 $0x18C00  }
0x1ee: {  	[tilespmem:s31], [sflag:$0x2] =	stream.indirect_vreg.gather [hbm4b:s1+s7], $0x80, v3, vm0, $0xb8;
	[tilespmem:$0x1E000] =	vst v63  }
0x1ef: {  	v3 =	vld [tilespmem:s29+$0xD0];
	_ =	sdelay $0x4  }
0x1f0: {  	v45 =	vperm.xlane v3, v0;
	_ =	sdelay $0x1  }
0x1f1: {  	v3 =	vperm.xlane v3, v2;
	v4 =	vadd.s32 v1, v45;
	_ =	sdelay $0x1  }
0x1f2: {  	v3 =	vadd.s32 v1, v3;
	_ =	sdelay $0x1  }
0x1f3: {  	s31 =	simm.s32 $0x19800  }
0x1f4: {  	[tilespmem:s31], [sflag:$0x2] =	stream.indirect_vreg.gather [hbm4b:s1+s7], $0x80, v4, vm0, $0xb8;
	[tilespmem:$0x1E000] =	vst v63  }
0x1f5: {  	s31 =	simm.s32 $0x1A400  }
0x1f6: {  	[tilespmem:s31], [sflag:$0x2] =	stream.indirect_vreg.gather [hbm4b:s1+s7], $0x80, v3, vm0, $0xb8;
	[tilespmem:$0x1E000] =	vst v63  }
0x1f7: {  	v3 =	vld [tilespmem:s29+$0xE0];
	_ =	sdelay $0x4  }
0x1f8: {  	v46 =	vperm.xlane v3, v0;
	_ =	sdelay $0x1  }
0x1f9: {  	v3 =	vperm.xlane v3, v2;
	v4 =	vadd.s32 v1, v46;
	_ =	sdelay $0x1  }
0x1fa: {  	v3 =	vadd.s32 v1, v3;
	_ =	sdelay $0x1  }
0x1fb: {  	s31 =	simm.s32 $0x1B000  }
0x1fc: {  	[tilespmem:s31], [sflag:$0x2] =	stream.indirect_vreg.gather [hbm4b:s1+s7], $0x80, v4, vm0, $0xb8;
	[tilespmem:$0x1E000] =	vst v63  }
0x1fd: {  	s31 =	simm.s32 $0x1BC00  }
0x1fe: {  	[tilespmem:s31], [sflag:$0x2] =	stream.indirect_vreg.gather [hbm4b:s1+s7], $0x80, v3, vm0, $0xb8;
	[tilespmem:$0x1E000] =	vst v63  }
0x1ff: {  	v3 =	vld [tilespmem:s29+$0xF0];
	_ =	sdelay $0x4  }
0x200: {  	v47 =	vperm.xlane v3, v0;
	_ =	sdelay $0x1  }
0x201: {  	v3 =	vperm.xlane v3, v2;
	v4 =	vadd.s32 v1, v47;
	_ =	sdelay $0x1  }
0x202: {  	v3 =	vadd.s32 v1, v3;
	_ =	sdelay $0x1  }
0x203: {  	s31 =	simm.s32 $0x1C800  }
0x204: {  	[tilespmem:s31], [sflag:$0x2] =	stream.indirect_vreg.gather [hbm4b:s1+s7], $0x80, v4, vm0, $0xb8;
	[tilespmem:$0x1E000] =	vst v63  }
0x205: {  	s31 =	simm.s32 $0x1D400  }
0x206: {  	[tilespmem:s31], [sflag:$0x2] =	stream.indirect_vreg.gather [hbm4b:s1+s7], $0x80, v3, vm0, $0xb8;
	[tilespmem:$0x1E000] =	vst v63  }
0x207: {  	v3 =	vld [tilespmem:s29+$0x2080];
	_ =	sdelay $0x4  }
0x208: {  	v48 =	vperm.xlane v3, v0;
	_ =	sdelay $0x1  }
0x209: {  	v3 =	vperm.xlane v3, v2;
	v4 =	vadd.s32 v1, v48;
	_ =	sdelay $0x1  }
0x20a: {  	v3 =	vadd.s32 v1, v3;
	_ =	sdelay $0x1  }
0x20b: {  	s31 =	simm.s32 $0x12400  }
0x20c: {  	[tilespmem:s31], [sflag:$0x2] =	stream.indirect_vreg.gather [hbm4b:s2+s7], $0x80, v4, vm0, $0xb8;
	[tilespmem:$0x1E000] =	vst v63  }
0x20d: {  	s31 =	simm.s32 $0x13000  }
0x20e: {  	[tilespmem:s31], [sflag:$0x2] =	stream.indirect_vreg.gather [hbm4b:s2+s7], $0x80, v3, vm0, $0xb8;
	[tilespmem:$0x1E000] =	vst v63  }
0x20f: {  	v3 =	vld [tilespmem:s29+$0x2090];
	_ =	sdelay $0x4  }
0x210: {  	v49 =	vperm.xlane v3, v0;
	_ =	sdelay $0x1  }
0x211: {  	v3 =	vperm.xlane v3, v2;
	v4 =	vadd.s32 v1, v49;
	_ =	sdelay $0x1  }
0x212: {  	v3 =	vadd.s32 v1, v3;
	_ =	sdelay $0x1  }
0x213: {  	s31 =	simm.s32 $0x13C00  }
0x214: {  	[tilespmem:s31], [sflag:$0x2] =	stream.indirect_vreg.gather [hbm4b:s2+s7], $0x80, v4, vm0, $0xb8;
	[tilespmem:$0x1E000] =	vst v63  }
0x215: {  	s31 =	simm.s32 $0x14800  }
0x216: {  	[tilespmem:s31], [sflag:$0x2] =	stream.indirect_vreg.gather [hbm4b:s2+s7], $0x80, v3, vm0, $0xb8;
	[tilespmem:$0x1E000] =	vst v63  }
0x217: {  	v3 =	vld [tilespmem:s29+$0x20A0];
	_ =	sdelay $0x4  }
0x218: {  	v50 =	vperm.xlane v3, v0;
	_ =	sdelay $0x1  }
0x219: {  	v3 =	vperm.xlane v3, v2;
	v4 =	vadd.s32 v1, v50;
	_ =	sdelay $0x1  }
0x21a: {  	v3 =	vadd.s32 v1, v3;
	_ =	sdelay $0x1  }
0x21b: {  	s31 =	simm.s32 $0x15400  }
0x21c: {  	[tilespmem:s31], [sflag:$0x2] =	stream.indirect_vreg.gather [hbm4b:s2+s7], $0x80, v4, vm0, $0xb8;
	[tilespmem:$0x1E000] =	vst v63  }
0x21d: {  	s31 =	simm.s32 $0x16000  }
0x21e: {  	[tilespmem:s31], [sflag:$0x2] =	stream.indirect_vreg.gather [hbm4b:s2+s7], $0x80, v3, vm0, $0xb8;
	[tilespmem:$0x1E000] =	vst v63  }
0x21f: {  	v3 =	vld [tilespmem:s29+$0x20B0];
	_ =	sdelay $0x4  }
0x220: {  	v51 =	vperm.xlane v3, v0;
	_ =	sdelay $0x1  }
0x221: {  	v3 =	vperm.xlane v3, v2;
	v4 =	vadd.s32 v1, v51;
	_ =	sdelay $0x1  }
0x222: {  	v3 =	vadd.s32 v1, v3;
	_ =	sdelay $0x1  }
0x223: {  	s31 =	simm.s32 $0x16C00  }
0x224: {  	[tilespmem:s31], [sflag:$0x2] =	stream.indirect_vreg.gather [hbm4b:s2+s7], $0x80, v4, vm0, $0xb8;
	[tilespmem:$0x1E000] =	vst v63  }
0x225: {  	s31 =	simm.s32 $0x17800  }
0x226: {  	[tilespmem:s31], [sflag:$0x2] =	stream.indirect_vreg.gather [hbm4b:s2+s7], $0x80, v3, vm0, $0xb8;
	[tilespmem:$0x1E000] =	vst v63  }
0x227: {  	v3 =	vld [tilespmem:s29+$0x20C0];
	_ =	sdelay $0x4  }
0x228: {  	v52 =	vperm.xlane v3, v0;
	_ =	sdelay $0x1  }
0x229: {  	v3 =	vperm.xlane v3, v2;
	v4 =	vadd.s32 v1, v52;
	_ =	sdelay $0x1  }
0x22a: {  	v3 =	vadd.s32 v1, v3;
	_ =	sdelay $0x1  }
0x22b: {  	s31 =	simm.s32 $0x18400  }
0x22c: {  	[tilespmem:s31], [sflag:$0x2] =	stream.indirect_vreg.gather [hbm4b:s2+s7], $0x80, v4, vm0, $0xb8;
	[tilespmem:$0x1E000] =	vst v63  }
0x22d: {  	s31 =	simm.s32 $0x19000  }
0x22e: {  	[tilespmem:s31], [sflag:$0x2] =	stream.indirect_vreg.gather [hbm4b:s2+s7], $0x80, v3, vm0, $0xb8;
	[tilespmem:$0x1E000] =	vst v63  }
0x22f: {  	v3 =	vld [tilespmem:s29+$0x20D0];
	_ =	sdelay $0x4  }
0x230: {  	v53 =	vperm.xlane v3, v0;
	_ =	sdelay $0x1  }
0x231: {  	v3 =	vperm.xlane v3, v2;
	v4 =	vadd.s32 v1, v53;
	_ =	sdelay $0x1  }
0x232: {  	v3 =	vadd.s32 v1, v3;
	_ =	sdelay $0x1  }
0x233: {  	s31 =	simm.s32 $0x19C00  }
0x234: {  	[tilespmem:s31], [sflag:$0x2] =	stream.indirect_vreg.gather [hbm4b:s2+s7], $0x80, v4, vm0, $0xb8;
	[tilespmem:$0x1E000] =	vst v63  }
0x235: {  	s31 =	simm.s32 $0x1A800  }
0x236: {  	[tilespmem:s31], [sflag:$0x2] =	stream.indirect_vreg.gather [hbm4b:s2+s7], $0x80, v3, vm0, $0xb8;
	[tilespmem:$0x1E000] =	vst v63  }
0x237: {  	v3 =	vld [tilespmem:s29+$0x20E0];
	_ =	sdelay $0x4  }
0x238: {  	v54 =	vperm.xlane v3, v0;
	_ =	sdelay $0x1  }
0x239: {  	v3 =	vperm.xlane v3, v2;
	v4 =	vadd.s32 v1, v54;
	_ =	sdelay $0x1  }
0x23a: {  	v3 =	vadd.s32 v1, v3;
	_ =	sdelay $0x1  }
0x23b: {  	s31 =	simm.s32 $0x1B400  }
0x23c: {  	[tilespmem:s31], [sflag:$0x2] =	stream.indirect_vreg.gather [hbm4b:s2+s7], $0x80, v4, vm0, $0xb8;
	[tilespmem:$0x1E000] =	vst v63  }
0x23d: {  	s31 =	simm.s32 $0x1C000  }
0x23e: {  	[tilespmem:s31], [sflag:$0x2] =	stream.indirect_vreg.gather [hbm4b:s2+s7], $0x80, v3, vm0, $0xb8;
	[tilespmem:$0x1E000] =	vst v63  }
0x23f: {  	v3 =	vld [tilespmem:s29+$0x20F0];
	_ =	sdelay $0x4  }
0x240: {  	v55 =	vperm.xlane v3, v0;
	_ =	sdelay $0x1  }
0x241: {  	v3 =	vperm.xlane v3, v2;
	v4 =	vadd.s32 v1, v55;
	_ =	sdelay $0x1  }
0x242: {  	v3 =	vadd.s32 v1, v3;
	_ =	sdelay $0x1  }
0x243: {  	s31 =	simm.s32 $0x1CC00  }
0x244: {  	[tilespmem:s31], [sflag:$0x2] =	stream.indirect_vreg.gather [hbm4b:s2+s7], $0x80, v4, vm0, $0xb8;
	[tilespmem:$0x1E000] =	vst v63  }
0x245: {  	s31 =	simm.s32 $0x1D800  }
0x246: {  	[tilespmem:s31], [sflag:$0x2] =	stream.indirect_vreg.gather [hbm4b:s2+s7], $0x80, v3, vm0, $0xb8;
	[tilespmem:$0x1E000] =	vst v63  }
0x247: {  	v3 =	vld [tilespmem:s29+$0x4080];
	_ =	sdelay $0x4  }
0x248: {  	v56 =	vperm.xlane v3, v0;
	_ =	sdelay $0x1  }
0x249: {  	v3 =	vperm.xlane v3, v2;
	v4 =	vadd.s32 v1, v56;
	_ =	sdelay $0x1  }
0x24a: {  	v3 =	vadd.s32 v1, v3;
	_ =	sdelay $0x1  }
0x24b: {  	s31 =	simm.s32 $0x12800  }
0x24c: {  	[tilespmem:s31], [sflag:$0x2] =	stream.indirect_vreg.gather [hbm4b:s4+s7], $0x80, v4, vm0, $0xb8;
	[tilespmem:$0x1E000] =	vst v63  }
0x24d: {  	s31 =	simm.s32 $0x13400  }
0x24e: {  	[tilespmem:s31], [sflag:$0x2] =	stream.indirect_vreg.gather [hbm4b:s4+s7], $0x80, v3, vm0, $0xb8;
	[tilespmem:$0x1E000] =	vst v63  }
0x24f: {  	v3 =	vld [tilespmem:s29+$0x4090];
	_ =	sdelay $0x4  }
0x250: {  	v57 =	vperm.xlane v3, v0;
	_ =	sdelay $0x1  }
0x251: {  	v3 =	vperm.xlane v3, v2;
	v4 =	vadd.s32 v1, v57;
	_ =	sdelay $0x1  }
0x252: {  	v3 =	vadd.s32 v1, v3;
	_ =	sdelay $0x2  }
0x253: {  	[tilespmem:s3], [sflag:$0x2] =	stream.indirect_vreg.gather [hbm4b:s4+s7], $0x80, v4, vm0, $0xb8;
	[tilespmem:$0x1E000] =	vst v63  }
0x254: {  	_ = 	snop  }
0x255: {  	[tilespmem:s0], [sflag:$0x2] =	stream.indirect_vreg.gather [hbm4b:s4+s7], $0x80, v3, vm0, $0xb8;
	[tilespmem:$0x1E000] =	vst v63  }
0x256: {  	v3 =	vld [tilespmem:s29+$0x40A0];
	_ =	sdelay $0x4  }
0x257: {  	v58 =	vperm.xlane v3, v0;
	_ =	sdelay $0x1  }
0x258: {  	v3 =	vperm.xlane v3, v2;
	v4 =	vadd.s32 v1, v58;
	_ =	sdelay $0x1  }
0x259: {  	v3 =	vadd.s32 v1, v3;
	_ =	sdelay $0x2  }
0x25a: {  	[tilespmem:s15], [sflag:$0x2] =	stream.indirect_vreg.gather [hbm4b:s4+s7], $0x80, v4, vm0, $0xb8;
	[tilespmem:$0x1E000] =	vst v63  }
0x25b: {  	_ = 	snop  }
0x25c: {  	[tilespmem:s16], [sflag:$0x2] =	stream.indirect_vreg.gather [hbm4b:s4+s7], $0x80, v3, vm0, $0xb8;
	[tilespmem:$0x1E000] =	vst v63  }
0x25d: {  	v3 =	vld [tilespmem:s29+$0x40B0];
	_ =	sdelay $0x4  }
0x25e: {  	v59 =	vperm.xlane v3, v0;
	_ =	sdelay $0x1  }
0x25f: {  	v3 =	vperm.xlane v3, v2;
	v4 =	vadd.s32 v1, v59;
	_ =	sdelay $0x1  }
0x260: {  	v3 =	vadd.s32 v1, v3;
	_ =	sdelay $0x2  }
0x261: {  	[tilespmem:s8], [sflag:$0x2] =	stream.indirect_vreg.gather [hbm4b:s4+s7], $0x80, v4, vm0, $0xb8;
	[tilespmem:$0x1E000] =	vst v63  }
0x262: {  	_ = 	snop  }
0x263: {  	[tilespmem:s9], [sflag:$0x2] =	stream.indirect_vreg.gather [hbm4b:s4+s7], $0x80, v3, vm0, $0xb8;
	[tilespmem:$0x1E000] =	vst v63  }
0x264: {  	v3 =	vld [tilespmem:s29+$0x40C0];
	_ =	sdelay $0x4  }
0x265: {  	v60 =	vperm.xlane v3, v0;
	_ =	sdelay $0x1  }
0x266: {  	v3 =	vperm.xlane v3, v2;
	v4 =	vadd.s32 v1, v60;
	_ =	sdelay $0x1  }
0x267: {  	v3 =	vadd.s32 v1, v3;
	_ =	sdelay $0x2  }
0x268: {  	[tilespmem:s10], [sflag:$0x2] =	stream.indirect_vreg.gather [hbm4b:s4+s7], $0x80, v4, vm0, $0xb8;
	[tilespmem:$0x1E000] =	vst v63  }
0x269: {  	_ = 	snop  }
0x26a: {  	[tilespmem:s11], [sflag:$0x2] =	stream.indirect_vreg.gather [hbm4b:s4+s7], $0x80, v3, vm0, $0xb8;
	[tilespmem:$0x1E000] =	vst v63  }
0x26b: {  	v3 =	vld [tilespmem:s29+$0x40D0];
	_ =	sdelay $0x4  }
0x26c: {  	v61 =	vperm.xlane v3, v0;
	_ =	sdelay $0x1  }
0x26d: {  	v3 =	vperm.xlane v3, v2;
	v4 =	vadd.s32 v1, v61;
	_ =	sdelay $0x1  }
0x26e: {  	v3 =	vadd.s32 v1, v3;
	_ =	sdelay $0x2  }
0x26f: {  	[tilespmem:s12], [sflag:$0x2] =	stream.indirect_vreg.gather [hbm4b:s4+s7], $0x80, v4, vm0, $0xb8;
	[tilespmem:$0x1E000] =	vst v63  }
0x270: {  	_ = 	snop  }
0x271: {  	[tilespmem:s14], [sflag:$0x2] =	stream.indirect_vreg.gather [hbm4b:s4+s7], $0x80, v3, vm0, $0xb8;
	[tilespmem:$0x1E000] =	vst v63  }
0x272: {  	v3 =	vld [tilespmem:s29+$0x40E0];
	_ =	sdelay $0x4  }
0x273: {  	v62 =	vperm.xlane v3, v0;
	_ =	sdelay $0x1  }
0x274: {  	v3 =	vperm.xlane v3, v2;
	v4 =	vadd.s32 v1, v62;
	_ =	sdelay $0x1  }
0x275: {  	v3 =	vadd.s32 v1, v3;
	_ =	sdelay $0x2  }
0x276: {  	[tilespmem:s18], [sflag:$0x2] =	stream.indirect_vreg.gather [hbm4b:s4+s7], $0x80, v4, vm0, $0xb8;
	[tilespmem:$0x1E000] =	vst v63  }
0x277: {  	_ = 	snop  }
0x278: {  	[tilespmem:s20], [sflag:$0x2] =	stream.indirect_vreg.gather [hbm4b:s4+s7], $0x80, v3, vm0, $0xb8;
	[tilespmem:$0x1E000] =	vst v63  }
0x279: {  	v3 =	vld [tilespmem:s29+$0x40F0];
	_ =	sdelay $0x4  }
0x27a: {  	v63 =	vperm.xlane v3, v0;
	_ =	sdelay $0x1  }
0x27b: {  	v3 =	vperm.xlane v3, v2;
	v4 =	vadd.s32 v1, v63;
	_ =	sdelay $0x1  }
0x27c: {  	v3 =	vadd.s32 v1, v3;
	_ =	sdelay $0x2  }
0x27d: {  	[tilespmem:s21], [sflag:$0x2] =	stream.indirect_vreg.gather [hbm4b:s4+s7], $0x80, v4, vm0, $0xb8;
	[tilespmem:$0x1E000] =	vst v63  }
0x27e: {  	_ = 	snop  }
0x27f: {  	[tilespmem:s22], [sflag:$0x2] =	stream.indirect_vreg.gather [hbm4b:s4+s7], $0x80, v3, vm0, $0xb8;
	[tilespmem:$0x1E000] =	vst v63  }
0x280: {  	_ =	swait.ge [sflag:s23], $0x4000  }
0x281: {  	[sflag:s23] =	ssyncset.done $0x0  }
0x282: {  	[sflag:s23] =	ssyncadd.s32 $0xFFFFC000  }
0x283: {  	s28 =	sadd.s32 $0x400, s28;
	_ =	swait.ge [sflag:s23], $0x4000  }
0x284: {  	p0 =	sne.s32 s28, $0x8000;
	s31 =	sor.u32 s6, s29;
	[sflag:s23] =	ssyncset.done $0x0  }
.Ltmp3:
0x285: {  	s29 =	sshrl.u32 s31, $0x3;
	[sflag:s23] =	ssyncadd.s32 $0xFFFFC000;
	(pc) =	sbr.rel @!p0 .LBB2_6-.Ltmp3, $4  }
0x286: {  	s29 =	smul.u32 $0x180, s29;
	_ =	swait.ge [sflag:s23], $0x4000  }
0x287: {  	[sflag:s23] =	ssyncset.done $0x0  }
0x288: {  	s30 =	sadd.s32 $0x100, s30;
	s29 =	sadd.s32 s5, s29;
	[sflag:s23] =	ssyncadd.s32 $0xFFFFC000  }
0x289: {  	[hbm4b:s29+s7] =	stream.linear.scatter [tilespmem:s17], [sflag:$0x3], $0xC000, $0x38;
	[tilespmem:$0x1E000] =	vst v63  }
.LBB2_2:
0x28a: {  	p0 =	seq.s32 s28, $0x0  }
.Ltmp4:
0x28b: {  	_ = 	snop;
	(pc) =	sbr.rel @!p0 .LBB2_4-.Ltmp4, $1  }
0x28c: {  	_ =	sdelay $0x3  }
.Ltmp5:
0x28d: {  	(pc) =	sbr.rel .LBB2_5-.Ltmp5, $2  }
0x28e: {  	_ =	sdelay $0x2  }
0x28f: {  	s29 =	simm.s32 $0x0  }
.LBB2_7:
0x290: {  	_ =	sfence.sel $0x180000  }
0x291: {  	[bflag:$0x0] =	sbarrier.arrive $0xFFFF  }
0x292: {  	_ =	strace $0x90000047  }
0x293: {  	s0 =	stileid.u32;
	[bflag:$0x2] =	sbarrier.arrive $0xFFFF  }
0x294: {  	p0 =	sne.s32 s0, $0x0;
	s0 =	rddreg [dreg:$0x5]  }
0x295: {  	s0 =	sadd.s32 @!p0 $0x100000, s0  }
0x296: {  	[sflag:s0] =	ssyncadd.tile.s32 @!p0 $0x1;
	_ =	shalt  }
.Lfunc_end2:
_tile_overlayer_lowered:
.L_overlay_start_2:
0x297: {  	(tag) =	ssettag $0x2  }
0x298: {  	s0 =	rddreg [dreg:$0x0];
	s2 =	stileid.u32  }
0x299: {  	s1 =	rddreg [dreg:$0x1];
	p0 =	sne.s32 s2, $0x0  }
0x29a: {  	s3 =	rddreg [dreg:$0x2];
	[bflag:$0x3] =	sbarrier.arrive $0xFFFF;
	s2 =	simm.s32 @!p0 $0x1C05  }
0x29b: {  	[timem:s3], [sflag:s2] =	dma.local @!p0 [hbm:s0], s1  }
0x29c: {  	s0 =	simm.s32 @!p0 $0x5  }
0x29d: {  	_ =	swait.ge @!p0 [sflag:s0], s1  }
0x29e: {  	s1 =	ssub.s32 @!p0 $0x0, s1;
	[sflag:s0] =	ssyncset.done @!p0 $0x0  }
0x29f: {  	[sflag:s0] =	ssyncadd.s32 @!p0 s1  }
0x2a0: {  	[bflag:$0x3] =	sbarrier.arrive $0xFFFF  }
0x2a1: {  	_ =	shalt  }

</sc_bundles>
